<compile_context>
chip_gen: v7x
topology: tpu7x:2x2x1
jax: 0.10.2.dev20260603
libtpu: 0.0.44.dev20260713+nightly
codegen_flags: <defaults>
</compile_context>

<pallas_src>
import dataclasses
import functools

import jax
import jax.numpy as jnp
from jax.experimental import pallas as pl
from jax.experimental.pallas import tpu as pltpu
from jax.experimental.pallas import tpu_sc as plsc

_K = 100
_N_TOKENS = 8192
_DIM = 2048
_BLK = 256
_NEG_INF = float("-inf")


def _fused_body(x_ref, we_ref, be_ref,
                sparse_ref, spb_ref, stats_ref):
    i = pl.program_id(0)

    @pl.when(i == 0)
    def _init():
        init = jnp.where(
            jax.lax.broadcasted_iota(jnp.int32, (8, 128), 0) == 1,
            _NEG_INF, 0.0).astype(jnp.float32)
        stats_ref[...] = init

    x_blk = x_ref[...]
    xb = x_blk.astype(jnp.bfloat16)
    we = we_ref[...]
    act_t = jax.lax.dot_general(
        we, xb, (((1,), (1,)), ((), ())),
        preferred_element_type=jnp.float32)
    act_t = act_t + be_ref[...]

    abits = jax.lax.bitcast_convert_type(act_t, jnp.int32) & jnp.int32(
        0x7FFFFFFF)

    kf = jnp.float32(_K)

    def _count_ge(th):
        return jnp.sum(
            jnp.where(abits >= th, 1.0, 0.0).astype(jnp.float32),
            axis=0, keepdims=True)

    def _val_step(b, t):
        cand = t | jnp.left_shift(jnp.int32(1), 30 - b)
        cnt = _count_ge(cand)
        return jnp.where(cnt >= kf, cand, t)

    t0 = jnp.zeros((1, _BLK), jnp.int32)
    t = jax.lax.fori_loop(0, 31, _val_step, t0)

    n_gt = _count_ge(t + 1)
    need = kf - n_gt
    eq = abits == t
    col = jax.lax.broadcasted_iota(jnp.int32, (_DIM, _BLK), 0)

    def _idx_step(b, J):
        cand = J | jnp.left_shift(jnp.int32(1), 10 - b)
        c = jnp.sum(
            jnp.where(eq & (col < cand), 1.0, 0.0).astype(jnp.float32),
            axis=0, keepdims=True)
        return jnp.where(c < need, cand, J)

    J = jax.lax.fori_loop(0, 11, _idx_step, jnp.zeros((1, _BLK), jnp.int32))
    mask = (abits > t) | (eq & (col <= J))

    sparse_t = jnp.where(mask, act_t, 0.0)
    sparse_ref[...] = sparse_t.T
    spb_ref[...] = sparse_t.astype(jnp.bfloat16).T

    absel = jnp.where(mask, jnp.abs(act_t), 0.0)
    l0 = jnp.sum(jnp.where(absel > 0.0, 1.0, 0.0),
                 axis=0, keepdims=True)
    dev = l0 - kf
    s_dev = jnp.sum(dev)
    s_dev2 = jnp.sum(dev * dev)
    s_l0 = jnp.sum(l0)
    s_abs = jnp.sum(absel)
    m_abs = jnp.max(jnp.where(absel > 0.0, absel, _NEG_INF))

    row = jax.lax.broadcasted_iota(jnp.int32, (8, 128), 0)
    lane = jax.lax.broadcasted_iota(jnp.int32, (8, 128), 1)
    sum_part = jnp.where(
        (row == 0) & (lane == 0), s_dev,
        jnp.where((row == 0) & (lane == 1), s_dev2,
                  jnp.where((row == 0) & (lane == 2), s_abs,
                            jnp.where((row == 0) & (lane == 3), s_l0, 0.0))))
    max_part = jnp.where((row == 1) & (lane == 0), m_abs, _NEG_INF)
    stats_ref[...] = jnp.maximum(stats_ref[...] + sum_part, max_part)


def _encode_select(x, we_bf, be2):
    grid = _N_TOKENS // _BLK
    return pl.pallas_call(
        _fused_body,
        grid=(grid,),
        in_specs=[
            pl.BlockSpec((_BLK, _DIM), lambda i: (i, 0)),
            pl.BlockSpec((_DIM, _DIM), lambda i: (0, 0)),
            pl.BlockSpec((_DIM, 1), lambda i: (0, 0)),
        ],
        out_specs=[
            pl.BlockSpec((_BLK, _DIM), lambda i: (i, 0)),
            pl.BlockSpec((_BLK, _DIM), lambda i: (i, 0)),
            pl.BlockSpec((8, 128), lambda i: (0, 0)),
        ],
        out_shape=[
            jax.ShapeDtypeStruct((_N_TOKENS, _DIM), jnp.float32),
            jax.ShapeDtypeStruct((_N_TOKENS, _DIM), jnp.bfloat16),
            jax.ShapeDtypeStruct((8, 128), jnp.float32),
        ],
    )(x, we_bf, be2)


_DBLK = 512


def _dec_body(spb_ref, wd_ref, bdr_ref, recon_ref):
    rec = jax.lax.dot_general(
        spb_ref[...], wd_ref[...], (((1,), (1,)), ((), ())),
        preferred_element_type=jnp.float32)
    recon_ref[...] = rec + bdr_ref[...]


def _decode(spb, wd_bf, bd_row):
    grid = _N_TOKENS // _DBLK
    return pl.pallas_call(
        _dec_body,
        grid=(grid,),
        in_specs=[
            pl.BlockSpec((_DBLK, _DIM), lambda i: (i, 0)),
            pl.BlockSpec((_DIM, _DIM), lambda i: (0, 0)),
            pl.BlockSpec((1, _DIM), lambda i: (0, 0)),
        ],
        out_specs=pl.BlockSpec((_DBLK, _DIM), lambda i: (i, 0)),
        out_shape=jax.ShapeDtypeStruct((_N_TOKENS, _DIM), jnp.float32),
    )(spb, wd_bf, bd_row)



_NB = 65536
_NW = 32
_ROWS_W = _N_TOKENS // _NW
_CROWS = 16
_NCHUNK = _ROWS_W // _CROWS


def _sc_compiler_params():
    cp = pltpu.CompilerParams()
    if "needs_layout_passes" in pltpu.CompilerParams.__dataclass_fields__:
        cp = dataclasses.replace(cp, needs_layout_passes=False)
    return cp


def _sc_hist(sparse):
    mesh = plsc.VectorSubcoreMesh(core_axis_name="c", subcore_axis_name="s")

    @functools.partial(
        pl.kernel, mesh=mesh,
        out_type=jax.ShapeDtypeStruct((_NW, _NB), jnp.float32),
        scratch_types=[
            pltpu.VMEM((_CROWS, _DIM), jnp.float32),
            pltpu.VMEM((_NB + 16,), jnp.float32),
        ],
        compiler_params=_sc_compiler_params(),
    )
    def hist_kernel(sparse_hbm, hist_hbm, chunk_ref, hist_ref):
        wid = jax.lax.axis_index("s") * 2 + jax.lax.axis_index("c")

        @pl.loop(0, _NB + 16, step=16)
        def _zero(i):
            hist_ref[pl.ds(i, 16)] = jnp.zeros((16,), jnp.float32)

        base = wid * _ROWS_W
        ones = jnp.ones((16,), jnp.float32)
        lane = jax.lax.broadcasted_iota(jnp.int32, (16,), 0) + jnp.int32(_NB)

        @pl.loop(0, _NCHUNK)
        def _chunk(g):
            pltpu.sync_copy(
                sparse_hbm.at[pl.ds(base + g * _CROWS, _CROWS)], chunk_ref)

            @pl.loop(0, _CROWS)
            def _row(r):
                @pl.loop(0, _DIM, step=256)
                def _vec(c):
                    for u in range(16):
                        v = chunk_ref[r, pl.ds(c + u * 16, 16)]
                        bits = (plsc.bitcast(v, jnp.int32)
                                & jnp.int32(0x7FFFFFFF))
                        bucket = jnp.where(
                            bits == 0, lane,
                            jax.lax.shift_right_logical(bits, 15))
                        plsc.addupdate_scatter(hist_ref, [bucket], ones)

        pltpu.sync_copy(hist_ref.at[pl.ds(0, _NB)], hist_hbm.at[wid])

    return hist_kernel(sparse)


def _median_body(hist_ref, out_ref):
    h = hist_ref[...]
    tot = jnp.sum(h, axis=0, keepdims=True)
    iota = jax.lax.broadcasted_iota(jnp.int32, (1, _NB), 1)
    tot = jnp.where(iota == 0, 0.0, tot)
    n = jnp.sum(tot)
    pos = 0.5 * (n - 1.0)
    r0 = jnp.floor(pos)
    frac = pos - r0
    r1 = jnp.ceil(pos)

    def _find(r):
        def step(b, J):
            cand = J | jnp.left_shift(jnp.int32(1), 15 - b)
            cnt = jnp.sum(jnp.where(iota < cand, tot, 0.0))
            return jnp.where(cnt <= r, cand, J)

        return jax.lax.fori_loop(0, 16, step, jnp.int32(0))

    j0 = _find(r0)
    j1 = _find(r1)
    row = jax.lax.broadcasted_iota(jnp.int32, (8, 128), 0)
    lane = jax.lax.broadcasted_iota(jnp.int32, (8, 128), 1)
    at00 = (row == 0) & (lane == 0)
    v0 = jax.lax.bitcast_convert_type(
        jnp.where(at00, jnp.left_shift(j0, 15) | jnp.int32(0x4000), 0),
        jnp.float32)
    v1 = jax.lax.bitcast_convert_type(
        jnp.where(at00, jnp.left_shift(j1, 15) | jnp.int32(0x4000), 0),
        jnp.float32)
    out_ref[...] = v0 * (1.0 - frac) + v1 * frac


def _median_from_hists(hists):
    out = pl.pallas_call(
        _median_body,
        in_specs=[pl.BlockSpec((_NW, _NB), lambda: (0, 0))],
        out_specs=pl.BlockSpec((8, 128), lambda: (0, 0)),
        out_shape=jax.ShapeDtypeStruct((8, 128), jnp.float32),
    )(hists)
    return out[0, 0]


def kernel(x, W_enc, b_enc, W_dec, b_dec):
    we_bf = W_enc.astype(jnp.bfloat16)
    wd_bf = W_dec.astype(jnp.bfloat16)
    be2 = b_enc.reshape(_DIM, 1)
    bd_row = b_dec.reshape(1, _DIM)

    sparse, spb, stats = _encode_select(x, we_bf, be2)
    hists = _sc_hist(sparse)
    recon = _decode(spb, wd_bf, bd_row)

    n = jnp.float32(_N_TOKENS)
    s_dev = stats[0, 0]
    s_dev2 = stats[0, 1]
    s_abs = stats[0, 2]
    n_active = stats[0, 3]
    max_activation = stats[1, 0]
    l0_mean = jnp.float32(_K) + s_dev / n
    var = (s_dev2 - s_dev * s_dev / n) / (n - 1.0)
    l0_std = jnp.sqrt(jnp.maximum(var, 0.0))
    mean_activation = s_abs / n_active
    median_activation = _median_from_hists(hists)

    return (recon, sparse, l0_mean, l0_std, mean_activation,
            max_activation, median_activation)

# --- scband reference (transcript-rebuilt; emitter-appended) ---
"""Pipeline reference for scband-top-kautoencoder-21079699488964 (READ-ONLY COPY).

The authoritative reference and input builder live on the scoring server;
editing this copy changes nothing except your own understanding.
"""

import jax, jax.numpy as jnp
import numpy as np

K = 100
INPUT_DIM = 2048
LATENT_DIM = 2048
N_TOKENS = 8192


def setup_inputs(seed: int = 0) -> dict:
    key = jax.random.key(seed)
    k1, k2, k3, k4, k5 = jax.random.split(key, 5)
    x = jax.random.normal(k1, (N_TOKENS, INPUT_DIM), dtype=jnp.float32)
    # nn.Linear(input_dim, latent_dim): weight [latent_dim, input_dim], bias [latent_dim]
    lim_enc = 1.0 / np.sqrt(INPUT_DIM)
    W_enc = jax.random.uniform(k2, (LATENT_DIM, INPUT_DIM), dtype=jnp.float32, minval=-lim_enc, maxval=lim_enc)
    b_enc = jax.random.uniform(k3, (LATENT_DIM,), dtype=jnp.float32, minval=-lim_enc, maxval=lim_enc)
    # nn.Linear(latent_dim, input_dim): weight [input_dim, latent_dim], bias [input_dim]
    lim_dec = 1.0 / np.sqrt(LATENT_DIM)
    W_dec = jax.random.uniform(k4, (INPUT_DIM, LATENT_DIM), dtype=jnp.float32, minval=-lim_dec, maxval=lim_dec)
    # _normalize_decoder: unit-norm columns (dim=0)
    W_dec = W_dec / jnp.linalg.norm(W_dec, axis=0, keepdims=True)
    b_dec = jax.random.uniform(k5, (INPUT_DIM,), dtype=jnp.float32, minval=-lim_dec, maxval=lim_dec)
    return {"x": x, "W_enc": W_enc, "b_enc": b_enc, "W_dec": W_dec, "b_dec": b_dec}


def reference(x, W_enc, b_enc, W_dec, b_dec):
    activations = x @ W_enc.T + b_enc
    topk_vals, topk_idx = jax.lax.top_k(jnp.abs(activations), K)
    original_topk_values = jnp.take_along_axis(activations, topk_idx, axis=-1)
    rows = jnp.arange(activations.shape[0])[:, None]
    sparse_activations = jnp.zeros_like(activations).at[rows, topk_idx].set(original_topk_values)
    reconstruction = sparse_activations @ W_dec.T + b_dec
    # metrics (no-grad in torch; plain computation here)
    l0_norm = (sparse_activations != 0).sum(axis=-1).astype(jnp.float32)
    col_order = jnp.argsort(topk_idx, axis=-1)
    active_full = jnp.take_along_axis(original_topk_values, col_order, axis=-1).reshape(-1)
    active_mask = active_full != 0
    abs_full = jnp.abs(active_full)
    n_active = jnp.sum(active_mask)
    mean_activation = jnp.sum(jnp.where(active_mask, abs_full, 0.0)) / n_active.astype(jnp.float32)
    max_activation = jnp.max(jnp.where(active_mask, abs_full, -jnp.inf))
    sorted_abs = jnp.sort(jnp.where(active_mask, abs_full, jnp.inf))
    pos = 0.5 * (n_active.astype(jnp.float32) - 1.0)
    low_idx = jnp.floor(pos).astype(jnp.int32)
    high_idx = jnp.ceil(pos).astype(jnp.int32)
    frac = pos - jnp.floor(pos)
    median_activation = sorted_abs[low_idx] * (1.0 - frac) + sorted_abs[high_idx] * frac
    l0_mean = l0_norm.mean()
    l0_std = jnp.std(l0_norm, ddof=1)
    return (reconstruction, sparse_activations, l0_mean, l0_std, mean_activation, max_activation, median_activation)

if __name__ == "__main__":
    import jax
    _d = setup_inputs()
    print(jax.jit(kernel)(*tuple(_d.values())))

</pallas_src>

<mosaic_0001>
#map = affine_map<(d0, d1) -> (0, 0)>
module attributes {stable_mosaic.version = 14 : i64} {
  func.func @hist_kernel(%arg0: i32, %arg1: i32, %arg2: memref<8192x2048xf32, #tpu.memory_space<hbm>>, %arg3: memref<32x65536xf32, #tpu.memory_space<hbm>>, %arg4: memref<16x2048xf32, #tpu.memory_space<vmem>>, %arg5: memref<65552xf32, #tpu.memory_space<vmem>>) attributes {dimension_semantics = [#tpu.dimension_semantics<core_parallel>, #tpu.dimension_semantics<subcore_parallel>], iteration_bounds = array<i64: 2, 16>, scalar_prefetch = 0 : i64, scratch_operands = 2 : i64, tpu.core_type = #tpu.core_type<sc_vector_subcore>, window_params = [{transform_indices = #map}, {transform_indices = #map}]} {
    %mul3A = arith.constant 2 : i32
    %mul3A_0 = arith.muli %arg1, %mul3A : i32
    %add3A = arith.addi %mul3A_0, %arg0 : i32
    %scan3A = arith.constant 0 : i32
    %scan3A_1 = arith.constant 4097 : i32
    %scan3A_2 = arith.addi %scan3A, %scan3A_1 : i32
    %scan3A_3 = arith.constant 1 : i32
    scf.for %scan3A_16 = %scan3A to %scan3A_2 step %scan3A_3  : i32 {
      %mul3A_17 = arith.constant 16 : i32
      %mul3A_18 = arith.muli %scan3A_16, %mul3A_17 : i32
      %add3A_19 = arith.constant 0 : i32
      %add3A_20 = arith.addi %add3A_19, %mul3A_18 : i32
      %broadcast_in_dim3A_21 = arith.constant 0.000000e+00 : f32
      %broadcast_in_dim3A_22 = vector.broadcast %broadcast_in_dim3A_21 : f32 to vector<16xf32>
      %swap3A = arith.index_cast %add3A_20 : i32 to index
      %swap3A_23 = tpu.vector_load %arg5[%swap3A] {strides = array<i32>} : memref<65552xf32, #tpu.memory_space<vmem>>, vector<16xf32>,
      tpu.vector_store %arg5[%swap3A], %broadcast_in_dim3A_22 {strides = array<i32>} : memref<65552xf32, #tpu.memory_space<vmem>>, vector<16xf32>,
    }
    %scan3A_4 = arith.constant 4097 : i32
    %mul3A_5 = arith.constant 256 : i32
    %mul3A_6 = arith.muli %add3A, %mul3A_5 : i32
    %broadcast_in_dim3A = arith.constant 1.000000e+00 : f32
    %broadcast_in_dim3A_7 = vector.broadcast %broadcast_in_dim3A : f32 to vector<16xf32>
    %iota3A = tpu.iota {dimensions = array<i32: 0>} : vector<16xi32>
    %add3A_8 = arith.constant 65536 : i32
    %add3A_9 = vector.broadcast %add3A_8 : i32 to vector<16xi32>
    %add3A_10 = arith.addi %iota3A, %add3A_9 : vector<16xi32>
    %scan3A_11 = arith.constant 0 : i32
    %scan3A_12 = arith.constant 16 : i32
    %scan3A_13 = arith.addi %scan3A_11, %scan3A_12 : i32
    %scan3A_14 = arith.constant 1 : i32
    scf.for %scan3A_16 = %scan3A_11 to %scan3A_13 step %scan3A_14  : i32 {
      %mul3A_17 = arith.constant 1 : i32
      %mul3A_18 = arith.muli %scan3A_16, %mul3A_17 : i32
      %add3A_19 = arith.constant 0 : i32
      %add3A_20 = arith.addi %add3A_19, %mul3A_18 : i32
      %mul3A_21 = arith.constant 16 : i32
      %mul3A_22 = arith.muli %add3A_20, %mul3A_21 : i32
      %add3A_23 = arith.addi %mul3A_6, %mul3A_22 : i32
      "tpu.region"() ({
        %run_scoped3A = tpu.sem_alloc : memref<!tpu.dma_semaphore, #tpu.memory_space<semaphore_mem>>
        %dma_start3A = arith.constant 0 : i32
        %dma_start3A_29 = tpu.memref_slice %arg2[%add3A_23, %dma_start3A] : memref<8192x2048xf32, #tpu.memory_space<hbm>> -> memref<16x2048xf32, #tpu.memory_space<hbm>>
        %dma_start3A_30 = arith.constant 0 : i32
        %dma_start3A_31 = tpu.memref_slice %arg2[%add3A_23, %dma_start3A_30] : memref<8192x2048xf32, #tpu.memory_space<hbm>> -> memref<16x2048xf32, #tpu.memory_space<hbm>>
        tpu.enqueue_dma source(%dma_start3A_31 : memref<16x2048xf32, #tpu.memory_space<hbm>>) target(%arg4 : memref<16x2048xf32, #tpu.memory_space<vmem>>) target_semaphore(%run_scoped3A : memref<!tpu.dma_semaphore, #tpu.memory_space<semaphore_mem>>)
        %dma_wait3A = arith.constant 0 : i32
        %dma_wait3A_32 = tpu.memref_slice %arg2[%add3A_23, %dma_wait3A] : memref<8192x2048xf32, #tpu.memory_space<hbm>> -> memref<16x2048xf32, #tpu.memory_space<hbm>>
        %dma_wait3A_33 = arith.constant 0 : i32
        %dma_wait3A_34 = tpu.memref_slice %arg2[%add3A_23, %dma_wait3A_33] : memref<8192x2048xf32, #tpu.memory_space<hbm>> -> memref<16x2048xf32, #tpu.memory_space<hbm>>
        tpu.wait_dma2 semaphore(%run_scoped3A : memref<!tpu.dma_semaphore, #tpu.memory_space<semaphore_mem>>) src(%dma_wait3A_34 : memref<16x2048xf32, #tpu.memory_space<hbm>>) dst(%arg4 : memref<16x2048xf32, #tpu.memory_space<vmem>>)
        tpu.yield
      }) : () -> ()
      %scan3A_24 = arith.constant 0 : i32
      %scan3A_25 = arith.constant 16 : i32
      %scan3A_26 = arith.addi %scan3A_24, %scan3A_25 : i32
      %scan3A_27 = arith.constant 1 : i32
      scf.for %scan3A_29 = %scan3A_24 to %scan3A_26 step %scan3A_27  : i32 {
        %mul3A_30 = arith.constant 1 : i32
        %mul3A_31 = arith.muli %scan3A_29, %mul3A_30 : i32
        %add3A_32 = arith.constant 0 : i32
        %add3A_33 = arith.addi %add3A_32, %mul3A_31 : i32
        %scan3A_34 = arith.constant 0 : i32
        %scan3A_35 = arith.constant 8 : i32
        %scan3A_36 = arith.addi %scan3A_34, %scan3A_35 : i32
        %scan3A_37 = arith.constant 1 : i32
        scf.for %scan3A_39 = %scan3A_34 to %scan3A_36 step %scan3A_37  : i32 {
          %mul3A_40 = arith.constant 256 : i32
          %mul3A_41 = arith.muli %scan3A_39, %mul3A_40 : i32
          %add3A_42 = arith.constant 0 : i32
          %add3A_43 = arith.addi %add3A_42, %mul3A_41 : i32
          %add3A_44 = arith.constant 0 : i32
          %add3A_45 = arith.addi %add3A_43, %add3A_44 : i32
          %get3A = arith.index_cast %add3A_33 : i32 to index
          %get3A_46 = arith.index_cast %add3A_45 : i32 to index
          %get3A_47 = tpu.vector_load %arg4[%get3A, %get3A_46] {strides = array<i32>} : memref<16x2048xf32, #tpu.memory_space<vmem>>, vector<16xf32>,
          %bitcast3A = vector.bitcast %get3A_47 : vector<16xf32> to vector<16xi32>
          %and3A = arith.constant 2147483647 : i32
          %and3A_48 = vector.broadcast %and3A : i32 to vector<16xi32>
          %and3A_49 = arith.andi %bitcast3A, %and3A_48 : vector<16xi32>
          %eq3A = arith.constant 0 : i32
          %eq3A_50 = vector.broadcast %eq3A : i32 to vector<16xi32>
          %eq3A_51 = arith.cmpi eq, %and3A_49, %eq3A_50 : vector<16xi32>
          %shift_right_logical3A = arith.constant 15 : i32
          %shift_right_logical3A_52 = vector.broadcast %shift_right_logical3A : i32 to vector<16xi32>
          %shift_right_logical3A_53 = arith.shrui %and3A_49, %shift_right_logical3A_52 : vector<16xi32>
          %select_n3A = arith.select %eq3A_51, %add3A_10, %shift_right_logical3A_53 : vector<16xi1>, vector<16xi32>
          tpu.vector_store_idx %arg5[%select_n3A], %broadcast_in_dim3A_7 {add = true} : memref<65552xf32, #tpu.memory_space<vmem>>[vector<16xi32>], vector<16xf32>,
          %add3A_54 = arith.constant 16 : i32
          %add3A_55 = arith.addi %add3A_43, %add3A_54 : i32
          %get3A_56 = arith.index_cast %add3A_33 : i32 to index
          %get3A_57 = arith.index_cast %add3A_55 : i32 to index
          %get3A_58 = tpu.vector_load %arg4[%get3A_56, %get3A_57] {strides = array<i32>} : memref<16x2048xf32, #tpu.memory_space<vmem>>, vector<16xf32>,
          %bitcast3A_59 = vector.bitcast %get3A_58 : vector<16xf32> to vector<16xi32>
          %and3A_60 = arith.constant 2147483647 : i32
          %and3A_61 = vector.broadcast %and3A_60 : i32 to vector<16xi32>
          %and3A_62 = arith.andi %bitcast3A_59, %and3A_61 : vector<16xi32>
          %eq3A_63 = arith.constant 0 : i32
          %eq3A_64 = vector.broadcast %eq3A_63 : i32 to vector<16xi32>
          %eq3A_65 = arith.cmpi eq, %and3A_62, %eq3A_64 : vector<16xi32>
          %shift_right_logical3A_66 = arith.constant 15 : i32
          %shift_right_logical3A_67 = vector.broadcast %shift_right_logical3A_66 : i32 to vector<16xi32>
          %shift_right_logical3A_68 = arith.shrui %and3A_62, %shift_right_logical3A_67 : vector<16xi32>
          %select_n3A_69 = arith.select %eq3A_65, %add3A_10, %shift_right_logical3A_68 : vector<16xi1>, vector<16xi32>
          tpu.vector_store_idx %arg5[%select_n3A_69], %broadcast_in_dim3A_7 {add = true} : memref<65552xf32, #tpu.memory_space<vmem>>[vector<16xi32>], vector<16xf32>,
          %add3A_70 = arith.constant 32 : i32
          %add3A_71 = arith.addi %add3A_43, %add3A_70 : i32
          %get3A_72 = arith.index_cast %add3A_33 : i32 to index
          %get3A_73 = arith.index_cast %add3A_71 : i32 to index
          %get3A_74 = tpu.vector_load %arg4[%get3A_72, %get3A_73] {strides = array<i32>} : memref<16x2048xf32, #tpu.memory_space<vmem>>, vector<16xf32>,
          %bitcast3A_75 = vector.bitcast %get3A_74 : vector<16xf32> to vector<16xi32>
          %and3A_76 = arith.constant 2147483647 : i32
          %and3A_77 = vector.broadcast %and3A_76 : i32 to vector<16xi32>
          %and3A_78 = arith.andi %bitcast3A_75, %and3A_77 : vector<16xi32>
          %eq3A_79 = arith.constant 0 : i32
          %eq3A_80 = vector.broadcast %eq3A_79 : i32 to vector<16xi32>
          %eq3A_81 = arith.cmpi eq, %and3A_78, %eq3A_80 : vector<16xi32>
          %shift_right_logical3A_82 = arith.constant 15 : i32
          %shift_right_logical3A_83 = vector.broadcast %shift_right_logical3A_82 : i32 to vector<16xi32>
          %shift_right_logical3A_84 = arith.shrui %and3A_78, %shift_right_logical3A_83 : vector<16xi32>
          %select_n3A_85 = arith.select %eq3A_81, %add3A_10, %shift_right_logical3A_84 : vector<16xi1>, vector<16xi32>
          tpu.vector_store_idx %arg5[%select_n3A_85], %broadcast_in_dim3A_7 {add = true} : memref<65552xf32, #tpu.memory_space<vmem>>[vector<16xi32>], vector<16xf32>,
          %add3A_86 = arith.constant 48 : i32
          %add3A_87 = arith.addi %add3A_43, %add3A_86 : i32
          %get3A_88 = arith.index_cast %add3A_33 : i32 to index
          %get3A_89 = arith.index_cast %add3A_87 : i32 to index
          %get3A_90 = tpu.vector_load %arg4[%get3A_88, %get3A_89] {strides = array<i32>} : memref<16x2048xf32, #tpu.memory_space<vmem>>, vector<16xf32>,
          %bitcast3A_91 = vector.bitcast %get3A_90 : vector<16xf32> to vector<16xi32>
          %and3A_92 = arith.constant 2147483647 : i32
          %and3A_93 = vector.broadcast %and3A_92 : i32 to vector<16xi32>
          %and3A_94 = arith.andi %bitcast3A_91, %and3A_93 : vector<16xi32>
          %eq3A_95 = arith.constant 0 : i32
          %eq3A_96 = vector.broadcast %eq3A_95 : i32 to vector<16xi32>
          %eq3A_97 = arith.cmpi eq, %and3A_94, %eq3A_96 : vector<16xi32>
          %shift_right_logical3A_98 = arith.constant 15 : i32
          %shift_right_logical3A_99 = vector.broadcast %shift_right_logical3A_98 : i32 to vector<16xi32>
          %shift_right_logical3A_100 = arith.shrui %and3A_94, %shift_right_logical3A_99 : vector<16xi32>
          %select_n3A_101 = arith.select %eq3A_97, %add3A_10, %shift_right_logical3A_100 : vector<16xi1>, vector<16xi32>
          tpu.vector_store_idx %arg5[%select_n3A_101], %broadcast_in_dim3A_7 {add = true} : memref<65552xf32, #tpu.memory_space<vmem>>[vector<16xi32>], vector<16xf32>,
          %add3A_102 = arith.constant 64 : i32
          %add3A_103 = arith.addi %add3A_43, %add3A_102 : i32
          %get3A_104 = arith.index_cast %add3A_33 : i32 to index
          %get3A_105 = arith.index_cast %add3A_103 : i32 to index
          %get3A_106 = tpu.vector_load %arg4[%get3A_104, %get3A_105] {strides = array<i32>} : memref<16x2048xf32, #tpu.memory_space<vmem>>, vector<16xf32>,
          %bitcast3A_107 = vector.bitcast %get3A_106 : vector<16xf32> to vector<16xi32>
          %and3A_108 = arith.constant 2147483647 : i32
          %and3A_109 = vector.broadcast %and3A_108 : i32 to vector<16xi32>
          %and3A_110 = arith.andi %bitcast3A_107, %and3A_109 : vector<16xi32>
          %eq3A_111 = arith.constant 0 : i32
          %eq3A_112 = vector.broadcast %eq3A_111 : i32 to vector<16xi32>
          %eq3A_113 = arith.cmpi eq, %and3A_110, %eq3A_112 : vector<16xi32>
          %shift_right_logical3A_114 = arith.constant 15 : i32
          %shift_right_logical3A_115 = vector.broadcast %shift_right_logical3A_114 : i32 to vector<16xi32>
          %shift_right_logical3A_116 = arith.shrui %and3A_110, %shift_right_logical3A_115 : vector<16xi32>
          %select_n3A_117 = arith.select %eq3A_113, %add3A_10, %shift_right_logical3A_116 : vector<16xi1>, vector<16xi32>
          tpu.vector_store_idx %arg5[%select_n3A_117], %broadcast_in_dim3A_7 {add = true} : memref<65552xf32, #tpu.memory_space<vmem>>[vector<16xi32>], vector<16xf32>,
          %add3A_118 = arith.constant 80 : i32
          %add3A_119 = arith.addi %add3A_43, %add3A_118 : i32
          %get3A_120 = arith.index_cast %add3A_33 : i32 to index
          %get3A_121 = arith.index_cast %add3A_119 : i32 to index
          %get3A_122 = tpu.vector_load %arg4[%get3A_120, %get3A_121] {strides = array<i32>} : memref<16x2048xf32, #tpu.memory_space<vmem>>, vector<16xf32>,
          %bitcast3A_123 = vector.bitcast %get3A_122 : vector<16xf32> to vector<16xi32>
          %and3A_124 = arith.constant 2147483647 : i32
          %and3A_125 = vector.broadcast %and3A_124 : i32 to vector<16xi32>
          %and3A_126 = arith.andi %bitcast3A_123, %and3A_125 : vector<16xi32>
          %eq3A_127 = arith.constant 0 : i32
          %eq3A_128 = vector.broadcast %eq3A_127 : i32 to vector<16xi32>
          %eq3A_129 = arith.cmpi eq, %and3A_126, %eq3A_128 : vector<16xi32>
          %shift_right_logical3A_130 = arith.constant 15 : i32
          %shift_right_logical3A_131 = vector.broadcast %shift_right_logical3A_130 : i32 to vector<16xi32>
          %shift_right_logical3A_132 = arith.shrui %and3A_126, %shift_right_logical3A_131 : vector<16xi32>
          %select_n3A_133 = arith.select %eq3A_129, %add3A_10, %shift_right_logical3A_132 : vector<16xi1>, vector<16xi32>
          tpu.vector_store_idx %arg5[%select_n3A_133], %broadcast_in_dim3A_7 {add = true} : memref<65552xf32, #tpu.memory_space<vmem>>[vector<16xi32>], vector<16xf32>,
          %add3A_134 = arith.constant 96 : i32
          %add3A_135 = arith.addi %add3A_43, %add3A_134 : i32
          %get3A_136 = arith.index_cast %add3A_33 : i32 to index
          %get3A_137 = arith.index_cast %add3A_135 : i32 to index
          %get3A_138 = tpu.vector_load %arg4[%get3A_136, %get3A_137] {strides = array<i32>} : memref<16x2048xf32, #tpu.memory_space<vmem>>, vector<16xf32>,
          %bitcast3A_139 = vector.bitcast %get3A_138 : vector<16xf32> to vector<16xi32>
          %and3A_140 = arith.constant 2147483647 : i32
          %and3A_141 = vector.broadcast %and3A_140 : i32 to vector<16xi32>
          %and3A_142 = arith.andi %bitcast3A_139, %and3A_141 : vector<16xi32>
          %eq3A_143 = arith.constant 0 : i32
          %eq3A_144 = vector.broadcast %eq3A_143 : i32 to vector<16xi32>
          %eq3A_145 = arith.cmpi eq, %and3A_142, %eq3A_144 : vector<16xi32>
          %shift_right_logical3A_146 = arith.constant 15 : i32
          %shift_right_logical3A_147 = vector.broadcast %shift_right_logical3A_146 : i32 to vector<16xi32>
          %shift_right_logical3A_148 = arith.shrui %and3A_142, %shift_right_logical3A_147 : vector<16xi32>
          %select_n3A_149 = arith.select %eq3A_145, %add3A_10, %shift_right_logical3A_148 : vector<16xi1>, vector<16xi32>
          tpu.vector_store_idx %arg5[%select_n3A_149], %broadcast_in_dim3A_7 {add = true} : memref<65552xf32, #tpu.memory_space<vmem>>[vector<16xi32>], vector<16xf32>,
          %add3A_150 = arith.constant 112 : i32
          %add3A_151 = arith.addi %add3A_43, %add3A_150 : i32
          %get3A_152 = arith.index_cast %add3A_33 : i32 to index
          %get3A_153 = arith.index_cast %add3A_151 : i32 to index
          %get3A_154 = tpu.vector_load %arg4[%get3A_152, %get3A_153] {strides = array<i32>} : memref<16x2048xf32, #tpu.memory_space<vmem>>, vector<16xf32>,
          %bitcast3A_155 = vector.bitcast %get3A_154 : vector<16xf32> to vector<16xi32>
          %and3A_156 = arith.constant 2147483647 : i32
          %and3A_157 = vector.broadcast %and3A_156 : i32 to vector<16xi32>
          %and3A_158 = arith.andi %bitcast3A_155, %and3A_157 : vector<16xi32>
          %eq3A_159 = arith.constant 0 : i32
          %eq3A_160 = vector.broadcast %eq3A_159 : i32 to vector<16xi32>
          %eq3A_161 = arith.cmpi eq, %and3A_158, %eq3A_160 : vector<16xi32>
          %shift_right_logical3A_162 = arith.constant 15 : i32
          %shift_right_logical3A_163 = vector.broadcast %shift_right_logical3A_162 : i32 to vector<16xi32>
          %shift_right_logical3A_164 = arith.shrui %and3A_158, %shift_right_logical3A_163 : vector<16xi32>
          %select_n3A_165 = arith.select %eq3A_161, %add3A_10, %shift_right_logical3A_164 : vector<16xi1>, vector<16xi32>
          tpu.vector_store_idx %arg5[%select_n3A_165], %broadcast_in_dim3A_7 {add = true} : memref<65552xf32, #tpu.memory_space<vmem>>[vector<16xi32>], vector<16xf32>,
          %add3A_166 = arith.constant 128 : i32
          %add3A_167 = arith.addi %add3A_43, %add3A_166 : i32
          %get3A_168 = arith.index_cast %add3A_33 : i32 to index
          %get3A_169 = arith.index_cast %add3A_167 : i32 to index
          %get3A_170 = tpu.vector_load %arg4[%get3A_168, %get3A_169] {strides = array<i32>} : memref<16x2048xf32, #tpu.memory_space<vmem>>, vector<16xf32>,
          %bitcast3A_171 = vector.bitcast %get3A_170 : vector<16xf32> to vector<16xi32>
          %and3A_172 = arith.constant 2147483647 : i32
          %and3A_173 = vector.broadcast %and3A_172 : i32 to vector<16xi32>
          %and3A_174 = arith.andi %bitcast3A_171, %and3A_173 : vector<16xi32>
          %eq3A_175 = arith.constant 0 : i32
          %eq3A_176 = vector.broadcast %eq3A_175 : i32 to vector<16xi32>
          %eq3A_177 = arith.cmpi eq, %and3A_174, %eq3A_176 : vector<16xi32>
          %shift_right_logical3A_178 = arith.constant 15 : i32
          %shift_right_logical3A_179 = vector.broadcast %shift_right_logical3A_178 : i32 to vector<16xi32>
          %shift_right_logical3A_180 = arith.shrui %and3A_174, %shift_right_logical3A_179 : vector<16xi32>
          %select_n3A_181 = arith.select %eq3A_177, %add3A_10, %shift_right_logical3A_180 : vector<16xi1>, vector<16xi32>
          tpu.vector_store_idx %arg5[%select_n3A_181], %broadcast_in_dim3A_7 {add = true} : memref<65552xf32, #tpu.memory_space<vmem>>[vector<16xi32>], vector<16xf32>,
          %add3A_182 = arith.constant 144 : i32
          %add3A_183 = arith.addi %add3A_43, %add3A_182 : i32
          %get3A_184 = arith.index_cast %add3A_33 : i32 to index
          %get3A_185 = arith.index_cast %add3A_183 : i32 to index
          %get3A_186 = tpu.vector_load %arg4[%get3A_184, %get3A_185] {strides = array<i32>} : memref<16x2048xf32, #tpu.memory_space<vmem>>, vector<16xf32>,
          %bitcast3A_187 = vector.bitcast %get3A_186 : vector<16xf32> to vector<16xi32>
          %and3A_188 = arith.constant 2147483647 : i32
          %and3A_189 = vector.broadcast %and3A_188 : i32 to vector<16xi32>
          %and3A_190 = arith.andi %bitcast3A_187, %and3A_189 : vector<16xi32>
          %eq3A_191 = arith.constant 0 : i32
          %eq3A_192 = vector.broadcast %eq3A_191 : i32 to vector<16xi32>
          %eq3A_193 = arith.cmpi eq, %and3A_190, %eq3A_192 : vector<16xi32>
          %shift_right_logical3A_194 = arith.constant 15 : i32
          %shift_right_logical3A_195 = vector.broadcast %shift_right_logical3A_194 : i32 to vector<16xi32>
          %shift_right_logical3A_196 = arith.shrui %and3A_190, %shift_right_logical3A_195 : vector<16xi32>
          %select_n3A_197 = arith.select %eq3A_193, %add3A_10, %shift_right_logical3A_196 : vector<16xi1>, vector<16xi32>
          tpu.vector_store_idx %arg5[%select_n3A_197], %broadcast_in_dim3A_7 {add = true} : memref<65552xf32, #tpu.memory_space<vmem>>[vector<16xi32>], vector<16xf32>,
          %add3A_198 = arith.constant 160 : i32
          %add3A_199 = arith.addi %add3A_43, %add3A_198 : i32
          %get3A_200 = arith.index_cast %add3A_33 : i32 to index
          %get3A_201 = arith.index_cast %add3A_199 : i32 to index
          %get3A_202 = tpu.vector_load %arg4[%get3A_200, %get3A_201] {strides = array<i32>} : memref<16x2048xf32, #tpu.memory_space<vmem>>, vector<16xf32>,
          %bitcast3A_203 = vector.bitcast %get3A_202 : vector<16xf32> to vector<16xi32>
          %and3A_204 = arith.constant 2147483647 : i32
          %and3A_205 = vector.broadcast %and3A_204 : i32 to vector<16xi32>
          %and3A_206 = arith.andi %bitcast3A_203, %and3A_205 : vector<16xi32>
          %eq3A_207 = arith.constant 0 : i32
          %eq3A_208 = vector.broadcast %eq3A_207 : i32 to vector<16xi32>
          %eq3A_209 = arith.cmpi eq, %and3A_206, %eq3A_208 : vector<16xi32>
          %shift_right_logical3A_210 = arith.constant 15 : i32
          %shift_right_logical3A_211 = vector.broadcast %shift_right_logical3A_210 : i32 to vector<16xi32>
          %shift_right_logical3A_212 = arith.shrui %and3A_206, %shift_right_logical3A_211 : vector<16xi32>
          %select_n3A_213 = arith.select %eq3A_209, %add3A_10, %shift_right_logical3A_212 : vector<16xi1>, vector<16xi32>
          tpu.vector_store_idx %arg5[%select_n3A_213], %broadcast_in_dim3A_7 {add = true} : memref<65552xf32, #tpu.memory_space<vmem>>[vector<16xi32>], vector<16xf32>,
          %add3A_214 = arith.constant 176 : i32
          %add3A_215 = arith.addi %add3A_43, %add3A_214 : i32
          %get3A_216 = arith.index_cast %add3A_33 : i32 to index
          %get3A_217 = arith.index_cast %add3A_215 : i32 to index
          %get3A_218 = tpu.vector_load %arg4[%get3A_216, %get3A_217] {strides = array<i32>} : memref<16x2048xf32, #tpu.memory_space<vmem>>, vector<16xf32>,
          %bitcast3A_219 = vector.bitcast %get3A_218 : vector<16xf32> to vector<16xi32>
          %and3A_220 = arith.constant 2147483647 : i32
          %and3A_221 = vector.broadcast %and3A_220 : i32 to vector<16xi32>
          %and3A_222 = arith.andi %bitcast3A_219, %and3A_221 : vector<16xi32>
          %eq3A_223 = arith.constant 0 : i32
          %eq3A_224 = vector.broadcast %eq3A_223 : i32 to vector<16xi32>
          %eq3A_225 = arith.cmpi eq, %and3A_222, %eq3A_224 : vector<16xi32>
          %shift_right_logical3A_226 = arith.constant 15 : i32
          %shift_right_logical3A_227 = vector.broadcast %shift_right_logical3A_226 : i32 to vector<16xi32>
          %shift_right_logical3A_228 = arith.shrui %and3A_222, %shift_right_logical3A_227 : vector<16xi32>
          %select_n3A_229 = arith.select %eq3A_225, %add3A_10, %shift_right_logical3A_228 : vector<16xi1>, vector<16xi32>
          tpu.vector_store_idx %arg5[%select_n3A_229], %broadcast_in_dim3A_7 {add = true} : memref<65552xf32, #tpu.memory_space<vmem>>[vector<16xi32>], vector<16xf32>,
          %add3A_230 = arith.constant 192 : i32
          %add3A_231 = arith.addi %add3A_43, %add3A_230 : i32
          %get3A_232 = arith.index_cast %add3A_33 : i32 to index
          %get3A_233 = arith.index_cast %add3A_231 : i32 to index
          %get3A_234 = tpu.vector_load %arg4[%get3A_232, %get3A_233] {strides = array<i32>} : memref<16x2048xf32, #tpu.memory_space<vmem>>, vector<16xf32>,
          %bitcast3A_235 = vector.bitcast %get3A_234 : vector<16xf32> to vector<16xi32>
          %and3A_236 = arith.constant 2147483647 : i32
          %and3A_237 = vector.broadcast %and3A_236 : i32 to vector<16xi32>
          %and3A_238 = arith.andi %bitcast3A_235, %and3A_237 : vector<16xi32>
          %eq3A_239 = arith.constant 0 : i32
          %eq3A_240 = vector.broadcast %eq3A_239 : i32 to vector<16xi32>
          %eq3A_241 = arith.cmpi eq, %and3A_238, %eq3A_240 : vector<16xi32>
          %shift_right_logical3A_242 = arith.constant 15 : i32
          %shift_right_logical3A_243 = vector.broadcast %shift_right_logical3A_242 : i32 to vector<16xi32>
          %shift_right_logical3A_244 = arith.shrui %and3A_238, %shift_right_logical3A_243 : vector<16xi32>
          %select_n3A_245 = arith.select %eq3A_241, %add3A_10, %shift_right_logical3A_244 : vector<16xi1>, vector<16xi32>
          tpu.vector_store_idx %arg5[%select_n3A_245], %broadcast_in_dim3A_7 {add = true} : memref<65552xf32, #tpu.memory_space<vmem>>[vector<16xi32>], vector<16xf32>,
          %add3A_246 = arith.constant 208 : i32
          %add3A_247 = arith.addi %add3A_43, %add3A_246 : i32
          %get3A_248 = arith.index_cast %add3A_33 : i32 to index
          %get3A_249 = arith.index_cast %add3A_247 : i32 to index
          %get3A_250 = tpu.vector_load %arg4[%get3A_248, %get3A_249] {strides = array<i32>} : memref<16x2048xf32, #tpu.memory_space<vmem>>, vector<16xf32>,
          %bitcast3A_251 = vector.bitcast %get3A_250 : vector<16xf32> to vector<16xi32>
          %and3A_252 = arith.constant 2147483647 : i32
          %and3A_253 = vector.broadcast %and3A_252 : i32 to vector<16xi32>
          %and3A_254 = arith.andi %bitcast3A_251, %and3A_253 : vector<16xi32>
          %eq3A_255 = arith.constant 0 : i32
          %eq3A_256 = vector.broadcast %eq3A_255 : i32 to vector<16xi32>
          %eq3A_257 = arith.cmpi eq, %and3A_254, %eq3A_256 : vector<16xi32>
          %shift_right_logical3A_258 = arith.constant 15 : i32
          %shift_right_logical3A_259 = vector.broadcast %shift_right_logical3A_258 : i32 to vector<16xi32>
          %shift_right_logical3A_260 = arith.shrui %and3A_254, %shift_right_logical3A_259 : vector<16xi32>
          %select_n3A_261 = arith.select %eq3A_257, %add3A_10, %shift_right_logical3A_260 : vector<16xi1>, vector<16xi32>
          tpu.vector_store_idx %arg5[%select_n3A_261], %broadcast_in_dim3A_7 {add = true} : memref<65552xf32, #tpu.memory_space<vmem>>[vector<16xi32>], vector<16xf32>,
          %add3A_262 = arith.constant 224 : i32
          %add3A_263 = arith.addi %add3A_43, %add3A_262 : i32
          %get3A_264 = arith.index_cast %add3A_33 : i32 to index
          %get3A_265 = arith.index_cast %add3A_263 : i32 to index
          %get3A_266 = tpu.vector_load %arg4[%get3A_264, %get3A_265] {strides = array<i32>} : memref<16x2048xf32, #tpu.memory_space<vmem>>, vector<16xf32>,
          %bitcast3A_267 = vector.bitcast %get3A_266 : vector<16xf32> to vector<16xi32>
          %and3A_268 = arith.constant 2147483647 : i32
          %and3A_269 = vector.broadcast %and3A_268 : i32 to vector<16xi32>
          %and3A_270 = arith.andi %bitcast3A_267, %and3A_269 : vector<16xi32>
          %eq3A_271 = arith.constant 0 : i32
          %eq3A_272 = vector.broadcast %eq3A_271 : i32 to vector<16xi32>
          %eq3A_273 = arith.cmpi eq, %and3A_270, %eq3A_272 : vector<16xi32>
          %shift_right_logical3A_274 = arith.constant 15 : i32
          %shift_right_logical3A_275 = vector.broadcast %shift_right_logical3A_274 : i32 to vector<16xi32>
          %shift_right_logical3A_276 = arith.shrui %and3A_270, %shift_right_logical3A_275 : vector<16xi32>
          %select_n3A_277 = arith.select %eq3A_273, %add3A_10, %shift_right_logical3A_276 : vector<16xi1>, vector<16xi32>
          tpu.vector_store_idx %arg5[%select_n3A_277], %broadcast_in_dim3A_7 {add = true} : memref<65552xf32, #tpu.memory_space<vmem>>[vector<16xi32>], vector<16xf32>,
          %add3A_278 = arith.constant 240 : i32
          %add3A_279 = arith.addi %add3A_43, %add3A_278 : i32
          %get3A_280 = arith.index_cast %add3A_33 : i32 to index
          %get3A_281 = arith.index_cast %add3A_279 : i32 to index
          %get3A_282 = tpu.vector_load %arg4[%get3A_280, %get3A_281] {strides = array<i32>} : memref<16x2048xf32, #tpu.memory_space<vmem>>, vector<16xf32>,
          %bitcast3A_283 = vector.bitcast %get3A_282 : vector<16xf32> to vector<16xi32>
          %and3A_284 = arith.constant 2147483647 : i32
          %and3A_285 = vector.broadcast %and3A_284 : i32 to vector<16xi32>
          %and3A_286 = arith.andi %bitcast3A_283, %and3A_285 : vector<16xi32>
          %eq3A_287 = arith.constant 0 : i32
          %eq3A_288 = vector.broadcast %eq3A_287 : i32 to vector<16xi32>
          %eq3A_289 = arith.cmpi eq, %and3A_286, %eq3A_288 : vector<16xi32>
          %shift_right_logical3A_290 = arith.constant 15 : i32
          %shift_right_logical3A_291 = vector.broadcast %shift_right_logical3A_290 : i32 to vector<16xi32>
          %shift_right_logical3A_292 = arith.shrui %and3A_286, %shift_right_logical3A_291 : vector<16xi32>
          %select_n3A_293 = arith.select %eq3A_289, %add3A_10, %shift_right_logical3A_292 : vector<16xi1>, vector<16xi32>
          tpu.vector_store_idx %arg5[%select_n3A_293], %broadcast_in_dim3A_7 {add = true} : memref<65552xf32, #tpu.memory_space<vmem>>[vector<16xi32>], vector<16xf32>,
        }
        %scan3A_38 = arith.constant 8 : i32
      }
      %scan3A_28 = arith.constant 16 : i32
    }
    %scan3A_15 = arith.constant 16 : i32
    "tpu.region"() ({
      %run_scoped3A = tpu.sem_alloc : memref<!tpu.dma_semaphore, #tpu.memory_space<semaphore_mem>>
      %dma_start3A = arith.constant 0 : i32
      %dma_start3A_16 = tpu.memref_slice %arg5[%dma_start3A] : memref<65552xf32, #tpu.memory_space<vmem>> -> memref<65536xf32, #tpu.memory_space<vmem>>
      %dma_start3A_17 = arith.constant 0 : i32
      %dma_start3A_18 = tpu.memref_slice %arg3[%add3A, %dma_start3A_17] : memref<32x65536xf32, #tpu.memory_space<hbm>> -> memref<1x65536xf32, #tpu.memory_space<hbm>>
      %dma_start3A_19 = tpu.memref_squeeze %dma_start3A_18 : memref<1x65536xf32, #tpu.memory_space<hbm>> -> memref<65536xf32, #tpu.memory_space<hbm>>
      %dma_start3A_20 = arith.constant 0 : i32
      %dma_start3A_21 = tpu.memref_slice %arg3[%add3A, %dma_start3A_20] : memref<32x65536xf32, #tpu.memory_space<hbm>> -> memref<1x65536xf32, #tpu.memory_space<hbm>>
      %dma_start3A_22 = tpu.memref_squeeze %dma_start3A_21 : memref<1x65536xf32, #tpu.memory_space<hbm>> -> memref<65536xf32, #tpu.memory_space<hbm>>
      %dma_start3A_23 = arith.constant 0 : i32
      %dma_start3A_24 = tpu.memref_slice %arg5[%dma_start3A_23] : memref<65552xf32, #tpu.memory_space<vmem>> -> memref<65536xf32, #tpu.memory_space<vmem>>
      tpu.enqueue_dma source(%dma_start3A_24 : memref<65536xf32, #tpu.memory_space<vmem>>) target(%dma_start3A_22 : memref<65536xf32, #tpu.memory_space<hbm>>) target_semaphore(%run_scoped3A : memref<!tpu.dma_semaphore, #tpu.memory_space<semaphore_mem>>)
      %dma_wait3A = arith.constant 0 : i32
      %dma_wait3A_25 = tpu.memref_slice %arg5[%dma_wait3A] : memref<65552xf32, #tpu.memory_space<vmem>> -> memref<65536xf32, #tpu.memory_space<vmem>>
      %dma_wait3A_26 = arith.constant 0 : i32
      %dma_wait3A_27 = tpu.memref_slice %arg3[%add3A, %dma_wait3A_26] : memref<32x65536xf32, #tpu.memory_space<hbm>> -> memref<1x65536xf32, #tpu.memory_space<hbm>>
      %dma_wait3A_28 = tpu.memref_squeeze %dma_wait3A_27 : memref<1x65536xf32, #tpu.memory_space<hbm>> -> memref<65536xf32, #tpu.memory_space<hbm>>
      %dma_wait3A_29 = arith.constant 0 : i32
      %dma_wait3A_30 = tpu.memref_slice %arg3[%add3A, %dma_wait3A_29] : memref<32x65536xf32, #tpu.memory_space<hbm>> -> memref<1x65536xf32, #tpu.memory_space<hbm>>
      %dma_wait3A_31 = tpu.memref_squeeze %dma_wait3A_30 : memref<1x65536xf32, #tpu.memory_space<hbm>> -> memref<65536xf32, #tpu.memory_space<hbm>>
      %dma_wait3A_32 = arith.constant 0 : i32
      %dma_wait3A_33 = tpu.memref_slice %arg5[%dma_wait3A_32] : memref<65552xf32, #tpu.memory_space<vmem>> -> memref<65536xf32, #tpu.memory_space<vmem>>
      tpu.wait_dma2 semaphore(%run_scoped3A : memref<!tpu.dma_semaphore, #tpu.memory_space<semaphore_mem>>) src(%dma_wait3A_33 : memref<65536xf32, #tpu.memory_space<vmem>>) dst(%dma_wait3A_31 : memref<65536xf32, #tpu.memory_space<hbm>>)
      tpu.yield
    }) : () -> ()
    return
  }
}

module attributes {stable_mosaic.version = 14 : i64} {
  func.func @_fused_body(%arg0: i32, %arg1: memref<256x2048xf32, #tpu.memory_space<vmem>>, %arg2: memref<2048x2048xbf16, #tpu.memory_space<vmem>>, %arg3: memref<2048x1xf32, #tpu.memory_space<vmem>>, %arg4: memref<256x2048xf32, #tpu.memory_space<vmem>>, %arg5: memref<256x2048xbf16, #tpu.memory_space<vmem>>, %arg6: memref<8x128xf32, #tpu.memory_space<vmem>>) attributes {dimension_semantics = [#tpu.dimension_semantics<arbitrary>], iteration_bounds = array<i64: 32>, scalar_prefetch = 0 : i64, scratch_operands = 0 : i64, tpu.core_type = #tpu.core_type<tc>, window_params = [{transform_indices = @transform_0, window_bounds = array<i64: 256, 2048>}, {pipeline_mode = #tpu.pipeline_mode<synchronous>, transform_indices = @transform_1, window_bounds = array<i64: 2048, 2048>}, {pipeline_mode = #tpu.pipeline_mode<synchronous>, transform_indices = @transform_2, window_bounds = array<i64: 2048, 1>}, {transform_indices = @transform_3, window_bounds = array<i64: 256, 2048>}, {transform_indices = @transform_4, window_bounds = array<i64: 256, 2048>}, {pipeline_mode = #tpu.pipeline_mode<synchronous>, transform_indices = @transform_5, window_bounds = array<i64: 8, 128>}]} {
    %eq3A = arith.constant 0 : i32
    %eq3A_0 = arith.cmpi eq, %arg0, %eq3A : i32
    %convert_element_type3A = arith.extui %eq3A_0 : i1 to i32
    %cond3A = arith.constant 0 : i32
    %cond3A_1 = arith.cmpi ne, %convert_element_type3A, %cond3A : i32
    scf.if %cond3A_1 {
      %iota3A_161 = tpu.iota {dimensions = array<i32: 0>} : vector<8x128xi32>
      %eq3A_162 = arith.constant 1 : i32
      %eq3A_163 = vector.broadcast %eq3A_162 : i32 to vector<8x128xi32>
      %eq3A_164 = arith.cmpi eq, %iota3A_161, %eq3A_163 : vector<8x128xi32>
      %jit3A_165 = arith.constant 0xFF800000 : f32
      %jit3A_166 = arith.constant 0.000000e+00 : f32
      %broadcast_in_dim3A_167 = vector.broadcast %jit3A_165 : f32 to vector<8x128xf32>
      %broadcast_in_dim3A_168 = vector.broadcast %jit3A_166 : f32 to vector<8x128xf32>
      %select_n3A_169 = arith.select %eq3A_164, %broadcast_in_dim3A_167, %broadcast_in_dim3A_168 : vector<8x128xi1>, vector<8x128xf32>
      %swap3A_170 = arith.constant 0 : index
      %swap3A_171 = arith.constant 0 : index
      %swap3A_172 = vector.load %arg6[%swap3A_170, %swap3A_171] : memref<8x128xf32, #tpu.memory_space<vmem>>, vector<8x128xf32>
      tpu.vector_store %arg6[%swap3A_170, %swap3A_171], %select_n3A_169 {strides = array<i32>} : memref<8x128xf32, #tpu.memory_space<vmem>>, vector<8x128xf32>,
    } else {
    }
    %get3A = arith.constant 0 : index
    %get3A_2 = arith.constant 0 : index
    %get3A_3 = vector.load %arg1[%get3A, %get3A_2] : memref<256x2048xf32, #tpu.memory_space<vmem>>, vector<256x2048xf32>
    %convert_element_type3A_4 = arith.truncf %get3A_3 : vector<256x2048xf32> to vector<256x2048xbf16>
    %get3A_5 = arith.constant 0 : index
    %get3A_6 = arith.constant 0 : index
    %get3A_7 = vector.load %arg2[%get3A_5, %get3A_6] : memref<2048x2048xbf16, #tpu.memory_space<vmem>>, vector<2048x2048xbf16>
    %dot_general3A = arith.constant dense<0.000000e+00> : vector<2048x256xf32>
    %dot_general3A_8 = tpu.matmul %get3A_7, %convert_element_type3A_4, %dot_general3A {dimension_numbers = #tpu.dot_dimension_numbers<[1], [1], [0], [0], [0, 0, 1, 0], [], []>, transpose_lhs_hint = false} : vector<2048x2048xbf16>, vector<256x2048xbf16>, vector<2048x256xf32> -> vector<2048x256xf32>
    %get3A_9 = arith.constant 0 : index
    %get3A_10 = arith.constant 0 : index
    %get3A_11 = vector.load %arg3[%get3A_9, %get3A_10] : memref<2048x1xf32, #tpu.memory_space<vmem>>, vector<2048x1xf32>
    %add3A = vector.broadcast %get3A_11 : vector<2048x1xf32> to vector<2048x256xf32>
    %add3A_12 = arith.addf %dot_general3A_8, %add3A : vector<2048x256xf32>
    %bitcast_convert_type3A = tpu.bitcast %add3A_12 : vector<2048x256xf32> -> vector<2048x256xi32>
    %and3A = arith.constant 2147483647 : i32
    %and3A_13 = vector.broadcast %and3A : i32 to vector<2048x256xi32>
    %and3A_14 = arith.andi %bitcast_convert_type3A, %and3A_13 : vector<2048x256xi32>
    %broadcast_in_dim3A = arith.constant 0 : i32
    %broadcast_in_dim3A_15 = vector.broadcast %broadcast_in_dim3A : i32 to vector<1x256xi32>
    %scan3A = arith.constant 1.000000e+02 : f32
    %scan3A_16 = arith.constant 0 : i32
    %scan3A_17 = arith.constant 31 : i32
    %scan3A_18 = arith.addi %scan3A_16, %scan3A_17 : i32
    %scan3A_19 = arith.constant 1 : i32
    %scan3A_20 = scf.for %scan3A_161 = %scan3A_16 to %scan3A_18 step %scan3A_19 iter_args(%scan3A_162 = %broadcast_in_dim3A_15) -> (vector<1x256xi32>)  : i32 {
      %sub3A_163 = arith.constant 30 : i32
      %sub3A_164 = arith.subi %sub3A_163, %scan3A_161 : i32
      %shift_left3A = arith.constant 1 : i32
      %shift_left3A_165 = arith.shli %shift_left3A, %sub3A_164 : i32
      %or3A_166 = vector.broadcast %shift_left3A_165 : i32 to vector<1x256xi32>
      %or3A_167 = arith.ori %scan3A_162, %or3A_166 : vector<1x256xi32>
      %ge3A_168 = vector.broadcast %or3A_167 : vector<1x256xi32> to vector<2048x256xi32>
      %ge3A_169 = arith.cmpi sge, %and3A_14, %ge3A_168 : vector<2048x256xi32>
      %jit3A_170 = arith.constant 1.000000e+00 : f32
      %jit3A_171 = arith.constant 0.000000e+00 : f32
      %broadcast_in_dim3A_172 = vector.broadcast %jit3A_170 : f32 to vector<2048x256xf32>
      %broadcast_in_dim3A_173 = vector.broadcast %jit3A_171 : f32 to vector<2048x256xf32>
      %select_n3A_174 = arith.select %ge3A_169, %broadcast_in_dim3A_172, %broadcast_in_dim3A_173 : vector<2048x256xi1>, vector<2048x256xf32>
      %reduce_sum3A_175 = arith.constant dense<0.000000e+00> : vector<256xf32>
      %reduce_sum3A_176 = vector.multi_reduction <add>, %select_n3A_174, %reduce_sum3A_175 [0] : vector<2048x256xf32> to vector<256xf32>
      %broadcast_in_dim3A_177 = vector.shape_cast %reduce_sum3A_176 : vector<256xf32> to vector<1x256xf32>
      %ge3A_178 = vector.broadcast %scan3A : f32 to vector<1x256xf32>
      %ge3A_179 = arith.cmpf oge, %broadcast_in_dim3A_177, %ge3A_178 : vector<1x256xf32>
      %select_n3A_180 = arith.select %ge3A_179, %or3A_167, %scan3A_162 : vector<1x256xi1>, vector<1x256xi32>
      scf.yield %select_n3A_180 : vector<1x256xi32>
    }
    %scan3A_21 = arith.constant 31 : i32
    %add3A_22 = arith.constant 1 : i32
    %add3A_23 = vector.broadcast %add3A_22 : i32 to vector<1x256xi32>
    %add3A_24 = arith.addi %scan3A_20, %add3A_23 : vector<1x256xi32>
    %ge3A = vector.broadcast %add3A_24 : vector<1x256xi32> to vector<2048x256xi32>
    %ge3A_25 = arith.cmpi sge, %and3A_14, %ge3A : vector<2048x256xi32>
    %jit3A = arith.constant 1.000000e+00 : f32
    %jit3A_26 = arith.constant 0.000000e+00 : f32
    %broadcast_in_dim3A_27 = vector.broadcast %jit3A : f32 to vector<2048x256xf32>
    %broadcast_in_dim3A_28 = vector.broadcast %jit3A_26 : f32 to vector<2048x256xf32>
    %select_n3A = arith.select %ge3A_25, %broadcast_in_dim3A_27, %broadcast_in_dim3A_28 : vector<2048x256xi1>, vector<2048x256xf32>
    %reduce_sum3A = arith.constant dense<0.000000e+00> : vector<256xf32>
    %reduce_sum3A_29 = vector.multi_reduction <add>, %select_n3A, %reduce_sum3A [0] : vector<2048x256xf32> to vector<256xf32>
    %broadcast_in_dim3A_30 = vector.shape_cast %reduce_sum3A_29 : vector<256xf32> to vector<1x256xf32>
    %sub3A = arith.constant 1.000000e+02 : f32
    %sub3A_31 = vector.broadcast %sub3A : f32 to vector<1x256xf32>
    %sub3A_32 = arith.subf %sub3A_31, %broadcast_in_dim3A_30 : vector<1x256xf32>
    %eq3A_33 = vector.broadcast %scan3A_20 : vector<1x256xi32> to vector<2048x256xi32>
    %eq3A_34 = arith.cmpi eq, %and3A_14, %eq3A_33 : vector<2048x256xi32>
    %iota3A = tpu.iota {dimensions = array<i32: 0>} : vector<2048x256xi32>
    %broadcast_in_dim3A_35 = arith.constant 0 : i32
    %broadcast_in_dim3A_36 = vector.broadcast %broadcast_in_dim3A_35 : i32 to vector<1x256xi32>
    %scan3A_37 = arith.constant 0 : i32
    %scan3A_38 = arith.constant 11 : i32
    %scan3A_39 = arith.addi %scan3A_37, %scan3A_38 : i32
    %scan3A_40 = arith.constant 1 : i32
    %scan3A_41 = scf.for %scan3A_161 = %scan3A_37 to %scan3A_39 step %scan3A_40 iter_args(%scan3A_162 = %broadcast_in_dim3A_36) -> (vector<1x256xi32>)  : i32 {
      %sub3A_163 = arith.constant 10 : i32
      %sub3A_164 = arith.subi %sub3A_163, %scan3A_161 : i32
      %shift_left3A = arith.constant 1 : i32
      %shift_left3A_165 = arith.shli %shift_left3A, %sub3A_164 : i32
      %or3A_166 = vector.broadcast %shift_left3A_165 : i32 to vector<1x256xi32>
      %or3A_167 = arith.ori %scan3A_162, %or3A_166 : vector<1x256xi32>
      %lt3A = vector.broadcast %or3A_167 : vector<1x256xi32> to vector<2048x256xi32>
      %lt3A_168 = arith.cmpi slt, %iota3A, %lt3A : vector<2048x256xi32>
      %and3A_169 = arith.andi %eq3A_34, %lt3A_168 : vector<2048x256xi1>
      %jit3A_170 = arith.constant 1.000000e+00 : f32
      %jit3A_171 = arith.constant 0.000000e+00 : f32
      %broadcast_in_dim3A_172 = vector.broadcast %jit3A_170 : f32 to vector<2048x256xf32>
      %broadcast_in_dim3A_173 = vector.broadcast %jit3A_171 : f32 to vector<2048x256xf32>
      %select_n3A_174 = arith.select %and3A_169, %broadcast_in_dim3A_172, %broadcast_in_dim3A_173 : vector<2048x256xi1>, vector<2048x256xf32>
      %reduce_sum3A_175 = arith.constant dense<0.000000e+00> : vector<256xf32>
      %reduce_sum3A_176 = vector.multi_reduction <add>, %select_n3A_174, %reduce_sum3A_175 [0] : vector<2048x256xf32> to vector<256xf32>
      %broadcast_in_dim3A_177 = vector.shape_cast %reduce_sum3A_176 : vector<256xf32> to vector<1x256xf32>
      %lt3A_178 = arith.cmpf olt, %broadcast_in_dim3A_177, %sub3A_32 : vector<1x256xf32>
      %select_n3A_179 = arith.select %lt3A_178, %or3A_167, %scan3A_162 : vector<1x256xi1>, vector<1x256xi32>
      scf.yield %select_n3A_179 : vector<1x256xi32>
    }
    %scan3A_42 = arith.constant 11 : i32
    %gt3A = vector.broadcast %scan3A_20 : vector<1x256xi32> to vector<2048x256xi32>
    %gt3A_43 = arith.cmpi sgt, %and3A_14, %gt3A : vector<2048x256xi32>
    %le3A = vector.broadcast %scan3A_41 : vector<1x256xi32> to vector<2048x256xi32>
    %le3A_44 = arith.cmpi sle, %iota3A, %le3A : vector<2048x256xi32>
    %and3A_45 = arith.andi %eq3A_34, %le3A_44 : vector<2048x256xi1>
    %or3A = arith.ori %gt3A_43, %and3A_45 : vector<2048x256xi1>
    %jit3A_46 = arith.constant 0.000000e+00 : f32
    %broadcast_in_dim3A_47 = vector.broadcast %jit3A_46 : f32 to vector<2048x256xf32>
    %select_n3A_48 = arith.select %or3A, %add3A_12, %broadcast_in_dim3A_47 : vector<2048x256xi1>, vector<2048x256xf32>
    %transpose3A = tpu.transpose %select_n3A_48, [1, 0] : vector<2048x256xf32> -> vector<256x2048xf32>
    %swap3A = arith.constant 0 : index
    %swap3A_49 = arith.constant 0 : index
    %swap3A_50 = vector.load %arg4[%swap3A, %swap3A_49] : memref<256x2048xf32, #tpu.memory_space<vmem>>, vector<256x2048xf32>
    tpu.vector_store %arg4[%swap3A, %swap3A_49], %transpose3A {strides = array<i32>} : memref<256x2048xf32, #tpu.memory_space<vmem>>, vector<256x2048xf32>,
    %convert_element_type3A_51 = arith.truncf %select_n3A_48 : vector<2048x256xf32> to vector<2048x256xbf16>
    %transpose3A_52 = tpu.transpose %convert_element_type3A_51, [1, 0] : vector<2048x256xbf16> -> vector<256x2048xbf16>
    %swap3A_53 = arith.constant 0 : index
    %swap3A_54 = arith.constant 0 : index
    %swap3A_55 = vector.load %arg5[%swap3A_53, %swap3A_54] : memref<256x2048xbf16, #tpu.memory_space<vmem>>, vector<256x2048xbf16>
    tpu.vector_store %arg5[%swap3A_53, %swap3A_54], %transpose3A_52 {strides = array<i32>} : memref<256x2048xbf16, #tpu.memory_space<vmem>>, vector<256x2048xbf16>,
    %abs3A = math.absf %add3A_12 : vector<2048x256xf32>
    %jit3A_56 = arith.constant 0.000000e+00 : f32
    %broadcast_in_dim3A_57 = vector.broadcast %jit3A_56 : f32 to vector<2048x256xf32>
    %select_n3A_58 = arith.select %or3A, %abs3A, %broadcast_in_dim3A_57 : vector<2048x256xi1>, vector<2048x256xf32>
    %gt3A_59 = arith.constant 0.000000e+00 : f32
    %gt3A_60 = vector.broadcast %gt3A_59 : f32 to vector<2048x256xf32>
    %gt3A_61 = arith.cmpf ogt, %select_n3A_58, %gt3A_60 : vector<2048x256xf32>
    %jit3A_62 = arith.constant 1.000000e+00 : f32
    %jit3A_63 = arith.constant 0.000000e+00 : f32
    %broadcast_in_dim3A_64 = vector.broadcast %jit3A_62 : f32 to vector<2048x256xf32>
    %broadcast_in_dim3A_65 = vector.broadcast %jit3A_63 : f32 to vector<2048x256xf32>
    %select_n3A_66 = arith.select %gt3A_61, %broadcast_in_dim3A_64, %broadcast_in_dim3A_65 : vector<2048x256xi1>, vector<2048x256xf32>
    %reduce_sum3A_67 = arith.constant dense<0.000000e+00> : vector<256xf32>
    %reduce_sum3A_68 = vector.multi_reduction <add>, %select_n3A_66, %reduce_sum3A_67 [0] : vector<2048x256xf32> to vector<256xf32>
    %broadcast_in_dim3A_69 = vector.shape_cast %reduce_sum3A_68 : vector<256xf32> to vector<1x256xf32>
    %sub3A_70 = arith.constant 1.000000e+02 : f32
    %sub3A_71 = vector.broadcast %sub3A_70 : f32 to vector<1x256xf32>
    %sub3A_72 = arith.subf %broadcast_in_dim3A_69, %sub3A_71 : vector<1x256xf32>
    %reduce_sum3A_73 = vector.shape_cast %sub3A_72 : vector<1x256xf32> to vector<1x1x256xf32>
    %reduce_sum3A_74 = arith.constant dense<0.000000e+00> : vector<1xf32>
    %reduce_sum3A_75 = vector.multi_reduction <add>, %reduce_sum3A_73, %reduce_sum3A_74 [1, 2] : vector<1x1x256xf32> to vector<1xf32>
    %reduce_sum3A_76 = vector.shape_cast %reduce_sum3A_75 : vector<1xf32> to vector<1x1x1xf32>
    %reduce_sum3A_77 = vector.extract %reduce_sum3A_76[0, 0, 0] : f32 from vector<1x1x1xf32>
    %mul3A = arith.mulf %sub3A_72, %sub3A_72 : vector<1x256xf32>
    %reduce_sum3A_78 = vector.shape_cast %mul3A : vector<1x256xf32> to vector<1x1x256xf32>
    %reduce_sum3A_79 = arith.constant dense<0.000000e+00> : vector<1xf32>
    %reduce_sum3A_80 = vector.multi_reduction <add>, %reduce_sum3A_78, %reduce_sum3A_79 [1, 2] : vector<1x1x256xf32> to vector<1xf32>
    %reduce_sum3A_81 = vector.shape_cast %reduce_sum3A_80 : vector<1xf32> to vector<1x1x1xf32>
    %reduce_sum3A_82 = vector.extract %reduce_sum3A_81[0, 0, 0] : f32 from vector<1x1x1xf32>
    %reduce_sum3A_83 = vector.shape_cast %broadcast_in_dim3A_69 : vector<1x256xf32> to vector<1x1x256xf32>
    %reduce_sum3A_84 = arith.constant dense<0.000000e+00> : vector<1xf32>
    %reduce_sum3A_85 = vector.multi_reduction <add>, %reduce_sum3A_83, %reduce_sum3A_84 [1, 2] : vector<1x1x256xf32> to vector<1xf32>
    %reduce_sum3A_86 = vector.shape_cast %reduce_sum3A_85 : vector<1xf32> to vector<1x1x1xf32>
    %reduce_sum3A_87 = vector.extract %reduce_sum3A_86[0, 0, 0] : f32 from vector<1x1x1xf32>
    %reduce_sum3A_88 = vector.shape_cast %select_n3A_58 : vector<2048x256xf32> to vector<1x2048x256xf32>
    %reduce_sum3A_89 = arith.constant dense<0.000000e+00> : vector<1xf32>
    %reduce_sum3A_90 = vector.multi_reduction <add>, %reduce_sum3A_88, %reduce_sum3A_89 [1, 2] : vector<1x2048x256xf32> to vector<1xf32>
    %reduce_sum3A_91 = vector.shape_cast %reduce_sum3A_90 : vector<1xf32> to vector<1x1x1xf32>
    %reduce_sum3A_92 = vector.extract %reduce_sum3A_91[0, 0, 0] : f32 from vector<1x1x1xf32>
    %gt3A_93 = arith.constant 0.000000e+00 : f32
    %gt3A_94 = vector.broadcast %gt3A_93 : f32 to vector<2048x256xf32>
    %gt3A_95 = arith.cmpf ogt, %select_n3A_58, %gt3A_94 : vector<2048x256xf32>
    %jit3A_96 = arith.constant 0xFF800000 : f32
    %broadcast_in_dim3A_97 = vector.broadcast %jit3A_96 : f32 to vector<2048x256xf32>
    %select_n3A_98 = arith.select %gt3A_95, %select_n3A_58, %broadcast_in_dim3A_97 : vector<2048x256xi1>, vector<2048x256xf32>
    %reduce_max3A = vector.shape_cast %select_n3A_98 : vector<2048x256xf32> to vector<1x2048x256xf32>
    %reduce_max3A_99 = arith.constant dense<0xFF800000> : vector<1xf32>
    %reduce_max3A_100 = vector.multi_reduction <maximumf>, %reduce_max3A, %reduce_max3A_99 [1, 2] : vector<1x2048x256xf32> to vector<1xf32>
    %reduce_max3A_101 = vector.shape_cast %reduce_max3A_100 : vector<1xf32> to vector<1x1x1xf32>
    %reduce_max3A_102 = vector.extract %reduce_max3A_101[0, 0, 0] : f32 from vector<1x1x1xf32>
    %iota3A_103 = tpu.iota {dimensions = array<i32: 0>} : vector<8x128xi32>
    %iota3A_104 = tpu.iota {dimensions = array<i32: 1>} : vector<8x128xi32>
    %eq3A_105 = arith.constant 0 : i32
    %eq3A_106 = vector.broadcast %eq3A_105 : i32 to vector<8x128xi32>
    %eq3A_107 = arith.cmpi eq, %iota3A_103, %eq3A_106 : vector<8x128xi32>
    %eq3A_108 = arith.constant 0 : i32
    %eq3A_109 = vector.broadcast %eq3A_108 : i32 to vector<8x128xi32>
    %eq3A_110 = arith.cmpi eq, %iota3A_104, %eq3A_109 : vector<8x128xi32>
    %and3A_111 = arith.andi %eq3A_107, %eq3A_110 : vector<8x128xi1>
    %eq3A_112 = arith.constant 0 : i32
    %eq3A_113 = vector.broadcast %eq3A_112 : i32 to vector<8x128xi32>
    %eq3A_114 = arith.cmpi eq, %iota3A_103, %eq3A_113 : vector<8x128xi32>
    %eq3A_115 = arith.constant 1 : i32
    %eq3A_116 = vector.broadcast %eq3A_115 : i32 to vector<8x128xi32>
    %eq3A_117 = arith.cmpi eq, %iota3A_104, %eq3A_116 : vector<8x128xi32>
    %and3A_118 = arith.andi %eq3A_114, %eq3A_117 : vector<8x128xi1>
    %eq3A_119 = arith.constant 0 : i32
    %eq3A_120 = vector.broadcast %eq3A_119 : i32 to vector<8x128xi32>
    %eq3A_121 = arith.cmpi eq, %iota3A_103, %eq3A_120 : vector<8x128xi32>
    %eq3A_122 = arith.constant 2 : i32
    %eq3A_123 = vector.broadcast %eq3A_122 : i32 to vector<8x128xi32>
    %eq3A_124 = arith.cmpi eq, %iota3A_104, %eq3A_123 : vector<8x128xi32>
    %and3A_125 = arith.andi %eq3A_121, %eq3A_124 : vector<8x128xi1>
    %eq3A_126 = arith.constant 0 : i32
    %eq3A_127 = vector.broadcast %eq3A_126 : i32 to vector<8x128xi32>
    %eq3A_128 = arith.cmpi eq, %iota3A_103, %eq3A_127 : vector<8x128xi32>
    %eq3A_129 = arith.constant 3 : i32
    %eq3A_130 = vector.broadcast %eq3A_129 : i32 to vector<8x128xi32>
    %eq3A_131 = arith.cmpi eq, %iota3A_104, %eq3A_130 : vector<8x128xi32>
    %and3A_132 = arith.andi %eq3A_128, %eq3A_131 : vector<8x128xi1>
    %jit3A_133 = arith.constant 0.000000e+00 : f32
    %broadcast_in_dim3A_134 = vector.broadcast %reduce_sum3A_87 : f32 to vector<8x128xf32>
    %broadcast_in_dim3A_135 = vector.broadcast %jit3A_133 : f32 to vector<8x128xf32>
    %select_n3A_136 = arith.select %and3A_132, %broadcast_in_dim3A_134, %broadcast_in_dim3A_135 : vector<8x128xi1>, vector<8x128xf32>
    %broadcast_in_dim3A_137 = vector.broadcast %reduce_sum3A_92 : f32 to vector<8x128xf32>
    %select_n3A_138 = arith.select %and3A_125, %broadcast_in_dim3A_137, %select_n3A_136 : vector<8x128xi1>, vector<8x128xf32>
    %broadcast_in_dim3A_139 = vector.broadcast %reduce_sum3A_82 : f32 to vector<8x128xf32>
    %select_n3A_140 = arith.select %and3A_118, %broadcast_in_dim3A_139, %select_n3A_138 : vector<8x128xi1>, vector<8x128xf32>
    %broadcast_in_dim3A_141 = vector.broadcast %reduce_sum3A_77 : f32 to vector<8x128xf32>
    %select_n3A_142 = arith.select %and3A_111, %broadcast_in_dim3A_141, %select_n3A_140 : vector<8x128xi1>, vector<8x128xf32>
    %eq3A_143 = arith.constant 1 : i32
    %eq3A_144 = vector.broadcast %eq3A_143 : i32 to vector<8x128xi32>
    %eq3A_145 = arith.cmpi eq, %iota3A_103, %eq3A_144 : vector<8x128xi32>
    %eq3A_146 = arith.constant 0 : i32
    %eq3A_147 = vector.broadcast %eq3A_146 : i32 to vector<8x128xi32>
    %eq3A_148 = arith.cmpi eq, %iota3A_104, %eq3A_147 : vector<8x128xi32>
    %and3A_149 = arith.andi %eq3A_145, %eq3A_148 : vector<8x128xi1>
    %jit3A_150 = arith.constant 0xFF800000 : f32
    %broadcast_in_dim3A_151 = vector.broadcast %reduce_max3A_102 : f32 to vector<8x128xf32>
    %broadcast_in_dim3A_152 = vector.broadcast %jit3A_150 : f32 to vector<8x128xf32>
    %select_n3A_153 = arith.select %and3A_149, %broadcast_in_dim3A_151, %broadcast_in_dim3A_152 : vector<8x128xi1>, vector<8x128xf32>
    %get3A_154 = arith.constant 0 : index
    %get3A_155 = arith.constant 0 : index
    %get3A_156 = vector.load %arg6[%get3A_154, %get3A_155] : memref<8x128xf32, #tpu.memory_space<vmem>>, vector<8x128xf32>
    %add3A_157 = arith.addf %get3A_156, %select_n3A_142 : vector<8x128xf32>
    %max3A = arith.maximumf %add3A_157, %select_n3A_153 : vector<8x128xf32>
    %swap3A_158 = arith.constant 0 : index
    %swap3A_159 = arith.constant 0 : index
    %swap3A_160 = vector.load %arg6[%swap3A_158, %swap3A_159] : memref<8x128xf32, #tpu.memory_space<vmem>>, vector<8x128xf32>
    tpu.vector_store %arg6[%swap3A_158, %swap3A_159], %max3A {strides = array<i32>} : memref<8x128xf32, #tpu.memory_space<vmem>>, vector<8x128xf32>,
    return
  }
  func.func @transform_0(%arg0: i32) -> (i32, i32) {
    %c0_i32 = arith.constant 0 : i32
    %c0_i32_0 = arith.constant 0 : i32
    return %arg0, %c0_i32 : i32, i32
  }
  func.func @transform_1(%arg0: i32) -> (i32, i32) {
    %c0_i32 = arith.constant 0 : i32
    %c0_i32_0 = arith.constant 0 : i32
    %c0_i32_1 = arith.constant 0 : i32
    return %c0_i32, %c0_i32_0 : i32, i32
  }
  func.func @transform_2(%arg0: i32) -> (i32, i32) {
    %c0_i32 = arith.constant 0 : i32
    %c0_i32_0 = arith.constant 0 : i32
    %c0_i32_1 = arith.constant 0 : i32
    return %c0_i32, %c0_i32_0 : i32, i32
  }
  func.func @transform_3(%arg0: i32) -> (i32, i32) {
    %c0_i32 = arith.constant 0 : i32
    %c0_i32_0 = arith.constant 0 : i32
    return %arg0, %c0_i32 : i32, i32
  }
  func.func @transform_4(%arg0: i32) -> (i32, i32) {
    %c0_i32 = arith.constant 0 : i32
    %c0_i32_0 = arith.constant 0 : i32
    return %arg0, %c0_i32 : i32, i32
  }
  func.func @transform_5(%arg0: i32) -> (i32, i32) {
    %c0_i32 = arith.constant 0 : i32
    %c0_i32_0 = arith.constant 0 : i32
    %c0_i32_1 = arith.constant 0 : i32
    return %c0_i32, %c0_i32_0 : i32, i32
  }
}

module attributes {stable_mosaic.version = 14 : i64} {
  func.func @_dec_body(%arg0: i32, %arg1: memref<512x2048xbf16, #tpu.memory_space<vmem>>, %arg2: memref<2048x2048xbf16, #tpu.memory_space<vmem>>, %arg3: memref<1x2048xf32, #tpu.memory_space<vmem>>, %arg4: memref<512x2048xf32, #tpu.memory_space<vmem>>) attributes {dimension_semantics = [#tpu.dimension_semantics<arbitrary>], iteration_bounds = array<i64: 16>, scalar_prefetch = 0 : i64, scratch_operands = 0 : i64, tpu.core_type = #tpu.core_type<tc>, window_params = [{transform_indices = @transform_0, window_bounds = array<i64: 512, 2048>}, {pipeline_mode = #tpu.pipeline_mode<synchronous>, transform_indices = @transform_1, window_bounds = array<i64: 2048, 2048>}, {pipeline_mode = #tpu.pipeline_mode<synchronous>, transform_indices = @transform_2, window_bounds = array<i64: 1, 2048>}, {transform_indices = @transform_3, window_bounds = array<i64: 512, 2048>}]} {
    %get3A = arith.constant 0 : index
    %get3A_0 = arith.constant 0 : index
    %get3A_1 = vector.load %arg1[%get3A, %get3A_0] : memref<512x2048xbf16, #tpu.memory_space<vmem>>, vector<512x2048xbf16>
    %get3A_2 = arith.constant 0 : index
    %get3A_3 = arith.constant 0 : index
    %get3A_4 = vector.load %arg2[%get3A_2, %get3A_3] : memref<2048x2048xbf16, #tpu.memory_space<vmem>>, vector<2048x2048xbf16>
    %dot_general3A = arith.constant dense<0.000000e+00> : vector<512x2048xf32>
    %dot_general3A_5 = tpu.matmul %get3A_1, %get3A_4, %dot_general3A {dimension_numbers = #tpu.dot_dimension_numbers<[1], [1], [0], [0], [0, 0, 1, 0], [], []>, transpose_lhs_hint = false} : vector<512x2048xbf16>, vector<2048x2048xbf16>, vector<512x2048xf32> -> vector<512x2048xf32>
    %get3A_6 = arith.constant 0 : index
    %get3A_7 = arith.constant 0 : index
    %get3A_8 = vector.load %arg3[%get3A_6, %get3A_7] : memref<1x2048xf32, #tpu.memory_space<vmem>>, vector<1x2048xf32>
    %add3A = vector.broadcast %get3A_8 : vector<1x2048xf32> to vector<512x2048xf32>
    %add3A_9 = arith.addf %dot_general3A_5, %add3A : vector<512x2048xf32>
    %swap3A = arith.constant 0 : index
    %swap3A_10 = arith.constant 0 : index
    %swap3A_11 = vector.load %arg4[%swap3A, %swap3A_10] : memref<512x2048xf32, #tpu.memory_space<vmem>>, vector<512x2048xf32>
    tpu.vector_store %arg4[%swap3A, %swap3A_10], %add3A_9 {strides = array<i32>} : memref<512x2048xf32, #tpu.memory_space<vmem>>, vector<512x2048xf32>,
    return
  }
  func.func @transform_0(%arg0: i32) -> (i32, i32) {
    %c0_i32 = arith.constant 0 : i32
    %c0_i32_0 = arith.constant 0 : i32
    return %arg0, %c0_i32 : i32, i32
  }
  func.func @transform_1(%arg0: i32) -> (i32, i32) {
    %c0_i32 = arith.constant 0 : i32
    %c0_i32_0 = arith.constant 0 : i32
    %c0_i32_1 = arith.constant 0 : i32
    return %c0_i32, %c0_i32_0 : i32, i32
  }
  func.func @transform_2(%arg0: i32) -> (i32, i32) {
    %c0_i32 = arith.constant 0 : i32
    %c0_i32_0 = arith.constant 0 : i32
    %c0_i32_1 = arith.constant 0 : i32
    return %c0_i32, %c0_i32_0 : i32, i32
  }
  func.func @transform_3(%arg0: i32) -> (i32, i32) {
    %c0_i32 = arith.constant 0 : i32
    %c0_i32_0 = arith.constant 0 : i32
    return %arg0, %c0_i32 : i32, i32
  }
}

module attributes {stable_mosaic.version = 14 : i64} {
  func.func @_median_body(%arg0: memref<32x65536xf32, #tpu.memory_space<vmem>>, %arg1: memref<8x128xf32, #tpu.memory_space<vmem>>) attributes {dimension_semantics = [], scalar_prefetch = 0 : i64, scratch_operands = 0 : i64, tpu.core_type = #tpu.core_type<tc>} {
    %get3A = arith.constant 0 : index
    %get3A_0 = arith.constant 0 : index
    %get3A_1 = vector.load %arg0[%get3A, %get3A_0] : memref<32x65536xf32, #tpu.memory_space<vmem>>, vector<32x65536xf32>
    %reduce_sum3A = arith.constant dense<0.000000e+00> : vector<65536xf32>
    %reduce_sum3A_2 = vector.multi_reduction <add>, %get3A_1, %reduce_sum3A [0] : vector<32x65536xf32> to vector<65536xf32>
    %broadcast_in_dim3A = vector.shape_cast %reduce_sum3A_2 : vector<65536xf32> to vector<1x65536xf32>
    %iota3A = tpu.iota {dimensions = array<i32: 1>} : vector<1x65536xi32>
    %eq3A = arith.constant 0 : i32
    %eq3A_3 = vector.broadcast %eq3A : i32 to vector<1x65536xi32>
    %eq3A_4 = arith.cmpi eq, %iota3A, %eq3A_3 : vector<1x65536xi32>
    %jit3A = arith.constant 0.000000e+00 : f32
    %broadcast_in_dim3A_5 = vector.broadcast %jit3A : f32 to vector<1x65536xf32>
    %select_n3A = arith.select %eq3A_4, %broadcast_in_dim3A_5, %broadcast_in_dim3A : vector<1x65536xi1>, vector<1x65536xf32>
    %reduce_sum3A_6 = vector.shape_cast %select_n3A : vector<1x65536xf32> to vector<1x1x65536xf32>
    %reduce_sum3A_7 = arith.constant dense<0.000000e+00> : vector<1xf32>
    %reduce_sum3A_8 = vector.multi_reduction <add>, %reduce_sum3A_6, %reduce_sum3A_7 [1, 2] : vector<1x1x65536xf32> to vector<1xf32>
    %reduce_sum3A_9 = vector.shape_cast %reduce_sum3A_8 : vector<1xf32> to vector<1x1x1xf32>
    %reduce_sum3A_10 = vector.extract %reduce_sum3A_9[0, 0, 0] : f32 from vector<1x1x1xf32>
    %sub3A = arith.constant 1.000000e+00 : f32
    %sub3A_11 = arith.subf %reduce_sum3A_10, %sub3A : f32
    %mul3A = arith.constant 5.000000e-01 : f32
    %mul3A_12 = arith.mulf %mul3A, %sub3A_11 : f32
    %floor3A = math.floor %mul3A_12 : f32
    %sub3A_13 = arith.subf %mul3A_12, %floor3A : f32
    %ceil3A = math.ceil %mul3A_12 : f32
    %scan3A = arith.constant 0 : i32
    %scan3A_14 = arith.constant 0 : i32
    %scan3A_15 = arith.constant 16 : i32
    %scan3A_16 = arith.addi %scan3A_14, %scan3A_15 : i32
    %scan3A_17 = arith.constant 1 : i32
    %scan3A_18 = scf.for %scan3A_58 = %scan3A_14 to %scan3A_16 step %scan3A_17 iter_args(%scan3A_59 = %scan3A) -> (i32)  : i32 {
      %sub3A_60 = arith.constant 15 : i32
      %sub3A_61 = arith.subi %sub3A_60, %scan3A_58 : i32
      %shift_left3A_62 = arith.constant 1 : i32
      %shift_left3A_63 = arith.shli %shift_left3A_62, %sub3A_61 : i32
      %or3A_64 = arith.ori %scan3A_59, %shift_left3A_63 : i32
      %lt3A = vector.broadcast %or3A_64 : i32 to vector<1x65536xi32>
      %lt3A_65 = arith.cmpi slt, %iota3A, %lt3A : vector<1x65536xi32>
      %jit3A_66 = arith.constant 0.000000e+00 : f32
      %broadcast_in_dim3A_67 = vector.broadcast %jit3A_66 : f32 to vector<1x65536xf32>
      %select_n3A_68 = arith.select %lt3A_65, %select_n3A, %broadcast_in_dim3A_67 : vector<1x65536xi1>, vector<1x65536xf32>
      %reduce_sum3A_69 = vector.shape_cast %select_n3A_68 : vector<1x65536xf32> to vector<1x1x65536xf32>
      %reduce_sum3A_70 = arith.constant dense<0.000000e+00> : vector<1xf32>
      %reduce_sum3A_71 = vector.multi_reduction <add>, %reduce_sum3A_69, %reduce_sum3A_70 [1, 2] : vector<1x1x65536xf32> to vector<1xf32>
      %reduce_sum3A_72 = vector.shape_cast %reduce_sum3A_71 : vector<1xf32> to vector<1x1x1xf32>
      %reduce_sum3A_73 = vector.extract %reduce_sum3A_72[0, 0, 0] : f32 from vector<1x1x1xf32>
      %le3A = arith.cmpf ole, %reduce_sum3A_73, %floor3A : f32
      %select_n3A_74 = arith.select %le3A, %or3A_64, %scan3A_59 : i32
      scf.yield %select_n3A_74 : i32
    }
    %scan3A_19 = arith.constant 16 : i32
    %scan3A_20 = arith.constant 0 : i32
    %scan3A_21 = arith.constant 0 : i32
    %scan3A_22 = arith.constant 16 : i32
    %scan3A_23 = arith.addi %scan3A_21, %scan3A_22 : i32
    %scan3A_24 = arith.constant 1 : i32
    %scan3A_25 = scf.for %scan3A_58 = %scan3A_21 to %scan3A_23 step %scan3A_24 iter_args(%scan3A_59 = %scan3A_20) -> (i32)  : i32 {
      %sub3A_60 = arith.constant 15 : i32
      %sub3A_61 = arith.subi %sub3A_60, %scan3A_58 : i32
      %shift_left3A_62 = arith.constant 1 : i32
      %shift_left3A_63 = arith.shli %shift_left3A_62, %sub3A_61 : i32
      %or3A_64 = arith.ori %scan3A_59, %shift_left3A_63 : i32
      %lt3A = vector.broadcast %or3A_64 : i32 to vector<1x65536xi32>
      %lt3A_65 = arith.cmpi slt, %iota3A, %lt3A : vector<1x65536xi32>
      %jit3A_66 = arith.constant 0.000000e+00 : f32
      %broadcast_in_dim3A_67 = vector.broadcast %jit3A_66 : f32 to vector<1x65536xf32>
      %select_n3A_68 = arith.select %lt3A_65, %select_n3A, %broadcast_in_dim3A_67 : vector<1x65536xi1>, vector<1x65536xf32>
      %reduce_sum3A_69 = vector.shape_cast %select_n3A_68 : vector<1x65536xf32> to vector<1x1x65536xf32>
      %reduce_sum3A_70 = arith.constant dense<0.000000e+00> : vector<1xf32>
      %reduce_sum3A_71 = vector.multi_reduction <add>, %reduce_sum3A_69, %reduce_sum3A_70 [1, 2] : vector<1x1x65536xf32> to vector<1xf32>
      %reduce_sum3A_72 = vector.shape_cast %reduce_sum3A_71 : vector<1xf32> to vector<1x1x1xf32>
      %reduce_sum3A_73 = vector.extract %reduce_sum3A_72[0, 0, 0] : f32 from vector<1x1x1xf32>
      %le3A = arith.cmpf ole, %reduce_sum3A_73, %ceil3A : f32
      %select_n3A_74 = arith.select %le3A, %or3A_64, %scan3A_59 : i32
      scf.yield %select_n3A_74 : i32
    }
    %scan3A_26 = arith.constant 16 : i32
    %iota3A_27 = tpu.iota {dimensions = array<i32: 0>} : vector<8x128xi32>
    %iota3A_28 = tpu.iota {dimensions = array<i32: 1>} : vector<8x128xi32>
    %eq3A_29 = arith.constant 0 : i32
    %eq3A_30 = vector.broadcast %eq3A_29 : i32 to vector<8x128xi32>
    %eq3A_31 = arith.cmpi eq, %iota3A_27, %eq3A_30 : vector<8x128xi32>
    %eq3A_32 = arith.constant 0 : i32
    %eq3A_33 = vector.broadcast %eq3A_32 : i32 to vector<8x128xi32>
    %eq3A_34 = arith.cmpi eq, %iota3A_28, %eq3A_33 : vector<8x128xi32>
    %and3A = arith.andi %eq3A_31, %eq3A_34 : vector<8x128xi1>
    %shift_left3A = arith.constant 15 : i32
    %shift_left3A_35 = arith.shli %scan3A_18, %shift_left3A : i32
    %or3A = arith.constant 16384 : i32
    %or3A_36 = arith.ori %shift_left3A_35, %or3A : i32
    %jit3A_37 = arith.constant 0 : i32
    %broadcast_in_dim3A_38 = vector.broadcast %or3A_36 : i32 to vector<8x128xi32>
    %broadcast_in_dim3A_39 = vector.broadcast %jit3A_37 : i32 to vector<8x128xi32>
    %select_n3A_40 = arith.select %and3A, %broadcast_in_dim3A_38, %broadcast_in_dim3A_39 : vector<8x128xi1>, vector<8x128xi32>
    %bitcast_convert_type3A = tpu.bitcast %select_n3A_40 : vector<8x128xi32> -> vector<8x128xf32>
    %shift_left3A_41 = arith.constant 15 : i32
    %shift_left3A_42 = arith.shli %scan3A_25, %shift_left3A_41 : i32
    %or3A_43 = arith.constant 16384 : i32
    %or3A_44 = arith.ori %shift_left3A_42, %or3A_43 : i32
    %jit3A_45 = arith.constant 0 : i32
    %broadcast_in_dim3A_46 = vector.broadcast %or3A_44 : i32 to vector<8x128xi32>
    %broadcast_in_dim3A_47 = vector.broadcast %jit3A_45 : i32 to vector<8x128xi32>
    %select_n3A_48 = arith.select %and3A, %broadcast_in_dim3A_46, %broadcast_in_dim3A_47 : vector<8x128xi1>, vector<8x128xi32>
    %bitcast_convert_type3A_49 = tpu.bitcast %select_n3A_48 : vector<8x128xi32> -> vector<8x128xf32>
    %sub3A_50 = arith.constant 1.000000e+00 : f32
    %sub3A_51 = arith.subf %sub3A_50, %sub3A_13 : f32
    %mul3A_52 = vector.broadcast %sub3A_51 : f32 to vector<8x128xf32>
    %mul3A_53 = arith.mulf %bitcast_convert_type3A, %mul3A_52 : vector<8x128xf32>
    %mul3A_54 = vector.broadcast %sub3A_13 : f32 to vector<8x128xf32>
    %mul3A_55 = arith.mulf %bitcast_convert_type3A_49, %mul3A_54 : vector<8x128xf32>
    %add3A = arith.addf %mul3A_53, %mul3A_55 : vector<8x128xf32>
    %swap3A = arith.constant 0 : index
    %swap3A_56 = arith.constant 0 : index
    %swap3A_57 = vector.load %arg1[%swap3A, %swap3A_56] : memref<8x128xf32, #tpu.memory_space<vmem>>, vector<8x128xf32>
    tpu.vector_store %arg1[%swap3A, %swap3A_56], %add3A {strides = array<i32>} : memref<8x128xf32, #tpu.memory_space<vmem>>, vector<8x128xf32>,
    return
  }
}

</mosaic_0001>

<sc_bundles>
// kernel: kernel.6.cloned.1.call-start
scs
__scs_entry_jumppad:
0x0: {  	(pc) =	sbr.rel $0x88, $3  }
0x1: {  	(tag) =	ssettag $0x0;
	lr =	simm.s32 $0x1  }
0x2: {  	[smem:$0x3F9C] =	sst lr;
	_ =	strace $0xD0000000  }
0x3: {  	_ = 	snop  }
0x4: {  	_ = 	snop  }
0x5: {  	_ = 	snop  }
0x6: {  	_ = 	snop  }
0x7: {  	_ = 	snop  }
__scs_overlays_trampoline_lowered:
0x8: {  	[smem:$0x3FAB] =	sst s0  }
0x9: {  	[smem:$0x3FAC] =	sst s1  }
0xa: {  	[smem:$0x3FAD] =	sst s2  }
0xb: {  	[smem:$0x3FAE] =	sst s3  }
0xc: {  	[smem:$0x3FAF] =	sst s4  }
0xd: {  	[smem:$0x3FB0] =	sst s5  }
0xe: {  	[smem:$0x3FB1] =	sst s6  }
0xf: {  	[smem:$0x3FB2] =	sst s7  }
0x10: {  	[smem:$0x3FB3] =	sst s8  }
0x11: {  	[smem:$0x3FB4] =	sst s9;
	s0 =	simm.s32 @!p0 $0x0  }
0x12: {  	s1 =	sld [smem:$0x3F9A];
	s0 =	simm.s32 @p0 $0x1  }
0x13: {  	[smem:$0x3FB5] =	sst s0;
	s0 =	simm.s32 @!p1 $0x0  }
0x14: {  	s2 =	sld [smem:$0x3F99];
	s0 =	simm.s32 @p1 $0x1  }
0x15: {  	[smem:$0x3FB6] =	sst s0;
	s0 =	simm.s32 @!p2 $0x0  }
0x16: {  	s3 =	sld [smem:$0x3FDB];
	s0 =	simm.s32 @p2 $0x1  }
0x17: {  	s4 =	simm.s32 $0x1BF5;
	[smem:$0x3FB8] =	sst s0  }
0x18: {  	s0 =	sld [smem:$0x3F9B];
	_ =	swait.ge [sflag:s4], $0x0  }
0x19: {  	s7 =	sld [smem:$0x3F9C]  }
0x1a: {  	s8 =	sadd.s32 $0xFFFFE003, lr  }
0x1b: {  	s9 =	sadd.s32 $0xFFFFFEF7, lr;
	s5 =	simm.s32 $0xFFFFFFFF;
	p2 =	slt.u32 s8, $0xFFFFF086  }
0x1c: {  	p1 =	slt.u32 s9, $0xF7A;
	s5 =	simm.s32 @!p2 $0x0  }
0x1d: {  	s5 =	simm.s32 @p1 $0x1;
	p0 =	seq.s32 s7, s2  }
0x1e: {  	s7 =	smul.u32 @!p0 $0xF7A, s2;
	p2 =	seq.s32 @!p0 s5, $0x0  }
0x1f: {  	s9 =	smul.u32 $0xF7A, s1;
	s8 =	simm.s32 @!p0 $0x1BF5;
	p2 =	por !p2, p0  }
0x20: {  	[sflag:s8] =	ssyncset.s32 @!p0 $0xFFFFF086;
	s6 =	sadd.s32 @!p0 s3, s7;
	s7 =	simm.s32 @!p0 $0x108  }
0x21: {  	s3 =	sadd.s32 s3, s9;
	s6 =	sadd.s32 @!p0 $0x88, s6;
	s7 =	simm.s32 @p2 $0x1082  }
0x22: {  	[simem:s7], [sflag:s8] =	dma.local @!p0 [hbm:s6], $0xF7A  }
0x23: {  	s9 =	sor.u32 $0xD0000000, s2;
	s6 =	simm.s32 $0x108;
	_ =	swait.ge @!p0 [sflag:s8], $0x0  }
0x24: {  	s3 =	sadd.s32 $0x88, s3;
	s6 =	simm.s32 @!p1 $0x1082;
	[sflag:s4] =	ssyncset.s32 $0xFFFFF086  }
0x25: {  	[simem:s6], [sflag:s4] =	dma.local [hbm:s3], $0xF7A  }
0x26: {  	[smem:$0x3F9C] =	sst s1;
	(tag) =	ssettag s2;
	_ =	strace s9  }
0x27: {  	s1 =	sld [smem:$0x3FAC]  }
0x28: {  	s2 =	sld [smem:$0x3FAD]  }
0x29: {  	s4 =	sld [smem:$0x3FAF]  }
0x2a: {  	p0 =	seq.s32 s5, $0x0;
	s5 =	sld [smem:$0x3FB0]  }
0x2b: {  	s6 =	sld [smem:$0x3FB1]  }
0x2c: {  	s7 =	sld [smem:$0x3FB2]  }
0x2d: {  	s3 =	simm.s32 $0x108;
	s8 =	sld [smem:$0x3FB3]  }
0x2e: {  	s3 =	simm.s32 @!p0 $0x1082;
	s9 =	sld [smem:$0x3FB4]  }
0x2f: {  	lr =	sadd.s32 s0, s3;
	s0 =	sld [smem:$0x3FAB]  }
0x30: {  	s3 =	sld [smem:$0x3FAE]  }
0x31: {  	[smem:$0x3FB7] =	sst s10  }
0x32: {  	s10 =	sld [smem:$0x3FB5];
	_ =	sdelay $0x3  }
0x33: {  	p0 =	seq.s32 s10, $0x1;
	s10 =	sld [smem:$0x3FB7];
	_ =	sdelay $0x3  }
0x34: {  	[smem:$0x3FB7] =	sst s10  }
0x35: {  	s10 =	sld [smem:$0x3FB6];
	_ =	sdelay $0x3  }
0x36: {  	p1 =	seq.s32 s10, $0x1;
	s10 =	sld [smem:$0x3FB7];
	_ =	sdelay $0x3  }
0x37: {  	[smem:$0x3FB7] =	sst s10  }
0x38: {  	s10 =	sld [smem:$0x3FB8]  }
0x39: {  	_ = 	snop;
	(pc) =	sbr.ind lr, $3  }
0x3a: {  	_ = 	snop  }
0x3b: {  	_ = 	snop  }
0x3c: {  	p2 =	seq.s32 s10, $0x1;
	s10 =	sld [smem:$0x3FB7]  }
0x3d: {  	_ =	shalt  }
0x3e: {  	_ =	shalt  }
0x3f: {  	_ =	shalt  }
0x40: {  	_ =	shalt  }
0x41: {  	_ =	shalt  }
0x42: {  	_ =	shalt  }
0x43: {  	_ =	shalt  }
0x44: {  	_ =	shalt  }
0x45: {  	_ =	shalt  }
0x46: {  	_ =	shalt  }
0x47: {  	_ =	shalt  }
0x48: {  	_ =	shalt  }
0x49: {  	_ =	shalt  }
0x4a: {  	_ =	shalt  }
0x4b: {  	_ =	shalt  }
0x4c: {  	_ =	shalt  }
0x4d: {  	_ =	shalt  }
0x4e: {  	_ =	shalt  }
0x4f: {  	_ =	shalt  }
0x50: {  	_ =	shalt  }
0x51: {  	_ =	shalt  }
0x52: {  	_ =	shalt  }
0x53: {  	_ =	shalt  }
0x54: {  	_ =	shalt  }
0x55: {  	_ =	shalt  }
0x56: {  	_ =	shalt  }
0x57: {  	_ =	shalt  }
0x58: {  	_ =	shalt  }
0x59: {  	_ =	shalt  }
0x5a: {  	_ =	shalt  }
0x5b: {  	_ =	shalt  }
0x5c: {  	_ =	shalt  }
0x5d: {  	_ =	shalt  }
0x5e: {  	_ =	shalt  }
0x5f: {  	_ =	shalt  }
0x60: {  	_ =	shalt  }
0x61: {  	_ =	shalt  }
0x62: {  	_ =	shalt  }
0x63: {  	_ =	shalt  }
0x64: {  	_ =	shalt  }
0x65: {  	_ =	shalt  }
0x66: {  	_ =	shalt  }
0x67: {  	_ =	shalt  }
0x68: {  	_ =	shalt  }
0x69: {  	_ =	shalt  }
0x6a: {  	_ =	shalt  }
0x6b: {  	_ =	shalt  }
0x6c: {  	_ =	shalt  }
0x6d: {  	_ =	shalt  }
0x6e: {  	_ =	shalt  }
0x6f: {  	_ =	shalt  }
0x70: {  	_ =	shalt  }
0x71: {  	_ =	shalt  }
0x72: {  	_ =	shalt  }
0x73: {  	_ =	shalt  }
0x74: {  	_ =	shalt  }
0x75: {  	_ =	shalt  }
0x76: {  	_ =	shalt  }
0x77: {  	_ =	shalt  }
0x78: {  	_ =	shalt  }
0x79: {  	_ =	shalt  }
0x7a: {  	_ =	shalt  }
0x7b: {  	_ =	shalt  }
0x7c: {  	_ =	shalt  }
0x7d: {  	_ =	shalt  }
0x7e: {  	_ =	shalt  }
0x7f: {  	_ =	shalt  }
0x80: {  	_ =	shalt  }
0x81: {  	_ =	shalt  }
0x82: {  	_ =	shalt  }
0x83: {  	_ =	shalt  }
0x84: {  	_ =	shalt  }
0x85: {  	_ =	shalt  }
0x86: {  	_ =	shalt  }
0x87: {  	_ =	shalt  }
.Lfunc_end0:
.L_simem_size_0:
called_computation_lowered:
.L_overlay_start_0:
0x88: {  	s2 =	sld [smem:$0x3FD9]  }
0x89: {  	s3 =	sld [smem:$0x3FFE];
	_ =	sdelay $0x1  }
0x8a: {  	s1 =	srdreg.scid  }
0x8b: {  	s0 =	sand.u32 $0x1, s1  }
0x8c: {  	s14 =	sshll.u32 s0, $0xA;
	s2 =	sadd.s32 s3, s2  }
0x8d: {  	s2 =	sadd.s32 s2, s14  }
0x8e: {  	[smem:$0x3FC3] =	sst s2  }
0x8f: {  	_ = 	snop  }
0x90: {  	s2 =	sld [smem:$0x3FD0];
	_ =	sdelay $0x2  }
0x91: {  	s15 =	simm.s32 $0xA;
	s4 =	simm.s32 $0x10  }
0x92: {  	[smem:s4], [sflag:s15] =	dma.local [hbm:s2], $0x1  }
0x93: {  	_ =	swait.eq [sflag:s15], $0x1  }
0x94: {  	[sflag:s15] =	ssyncset.done $0x0  }
0x95: {  	[sflag:s15] =	ssyncadd.s32 $0xFFFFFFFF  }
0x96: {  	s16 =	sld [smem:$0x11];
	(tm) =	ssettm $0x1  }
0x97: {  	s17 =	sld [smem:$0x3FFB];
	_ =	sdelay $0x3  }
0x98: {  	_ =	strace s17  }
0x99: {  	s3 =	sld [smem:$0x3FFC];
	_ =	sdelay $0x3  }
0x9a: {  	_ =	strace s3  }
0x9b: {  	s3 =	sld [smem:$0x3FFD];
	_ =	sdelay $0x3  }
0x9c: {  	_ =	strace s3  }
0x9d: {  	_ =	strace $0x8FFFFFFF  }
0x9e: {  	s18 =	sld [smem:$0x3FDB];
	_ =	sdelay $0x1  }
0x9f: {  	s19 =	simm.s32 $_scs_section_size  }
0xa0: {  	s5 =	simm.s32 $_size__tile_overlayer_lowered;
	s6 =	simm.s32 $_tile_overlayer_lowered  }
0xa1: {  	s22 =	simm.s32 $0x1BFF;
	s21 =	sshll.u32 s6, $0x1;
	s3 =	sadd.s32 s19, s18  }
0xa2: {  	s7 =	simm.s32 $0x0;
	s20 =	sshll.u32 s5, $0x1;
	s5 =	sadd.s32 s21, s3  }
0xa3: {  	[timem:s7], [sflag:s22] =	dma.local [hbm:s5], s20  }
0xa4: {  	_ =	swait.ge [sflag:s22], s20  }
0xa5: {  	s4 =	ssub.s32 $0x0, s20;
	[sflag:s22] =	ssyncset.done $0x0  }
0xa6: {  	[sflag:s22] =	ssyncadd.s32 s4;
	_ =	sdelay $0x1  }
0xa7: {  	s23 =	simm.s32 $0x1B8B  }
0xa8: {  	_ =	swait.ge [sflag:s23], $0x1  }
0xa9: {  	[sflag:s23] =	ssyncset.done $0x0  }
0xaa: {  	s25 =	simm.s32 $0x1B8E;
	s24 =	sld [smem:$0x3FFE];
	[sflag:s23] =	ssyncadd.s32 $0xFFFFFFFF  }
0xab: {  	s26 =	simm.s32 $execute0_lowered;
	[smem:$0x3FD2] =	sst s25  }
0xac: {  	s5 =	sshll.u32 s26, $0x1;
	_ =	strace $0x80000046;
	[dreg:$0x1] =	wrdreg $0xFFFFFFFF  }
0xad: {  	s28 =	simm.s32 $_size_execute0_lowered;
	s3 =	sadd.s32 s3, s5;
	[dreg:$0x0] =	wrdreg $0x0  }
0xae: {  	s5 =	sshll.u32 s28, $0x1;
	[dreg:$0x2] =	wrdreg s3  }
0xaf: {  	[dreg:$0x3] =	wrdreg s5  }
0xb0: {  	[dreg:$0x4] =	wrdreg $0xC0  }
0xb1: {  	_ =	task [dreg:s7], $0x5FFFF  }
0xb2: {  	[dreg:$0x1] =	wrdreg $0xFFFFFFFF  }
0xb3: {  	[dreg:$0x0] =	wrdreg $0x60  }
0xb4: {  	[dreg:$0x2] =	wrdreg s16  }
0xb5: {  	[dreg:$0x3] =	wrdreg s24  }
0xb6: {  	[dreg:$0x4] =	wrdreg $0x9  }
0xb7: {  	_ =	task.clear_ibuf [dreg:s7], $0x5FFFF;
	_ =	strace $0x90000046  }
0xb8: {  	s29 =	simm.s32 $0x9;
	_ =	strace $0x80000048  }
0xb9: {  	_ =	swait.ge [sflag:s29], $0x1  }
0xba: {  	[sflag:s29] =	ssyncadd.s32 $0xFFFFFFFF  }
0xbb: {  	_ =	strace $0x90000048  }
0xbc: {  	_ =	sfence  }
0xbd: {  	s30 =	sld [smem:$0x0];
	_ =	sdelay $0x2  }
0xbe: {  	s31 =	sshll.u32 s1, $0xD;
	s1 =	sshrl.u32 s1, $0x2  }
0xbf: {  	s3 =	sand.u32 $0x4000, s31;
	s1 =	sadd.s32 s1, s30  }
0xc0: {  	s0 =	sor.u32 s3, s0;
	s1 =	sshll.u32 s1, $0x11  }
0xc1: {  	s0 =	sor.u32 s1, s0  }
0xc2: {  	s0 =	sadd.s32 $0x8F2B, s0  }
0xc3: {  	[sflag:s0] =	ssyncadd.remote.s32 $0x1  }
0xc4: {  	_ =	sfence.sel $0xFFFF  }
0xc5: {  	[dreg:$0x0] =	wrdreg $0xFFFFFFFF;
	(pc) =	sbr.abs _section_cstart, $3  }
0xc6: {  	[dreg:$0x1] =	wrdreg $0xFFFFFFFF  }
0xc7: {  	_ =	task.clear_ibuf [dreg:s7], $0x2FFFF;
	_ =	strace $0x9FFFFFFF  }
0xc8: {  	(tm) =	ssettm $0x7FFFFFFF  }
0xc9: {  	_ =	shalt  }
tec
execute0_lowered:
.L_overlay_start_1:
0x0: {  	(tag) =	ssettag $0x1  }
0x1: {  	s1 =	srdreg.scid  }
0x2: {  	s0 =	stileid.u32;
	s4 =	rddreg [dreg:$0x0]  }
0x3: {  	s5 =	rddreg [dreg:$0x1];
	s3 =	sand.u32 $0x1, s1;
	s30 =	sshll.u32 s0, $0x1  }
0x4: {  	s2 =	simm.s32 $0x0;
	s9 =	simm.s32 $0x400;
	s1 =	sor.u32 s3, s30  }
0x5: {  	[smem:$0x7FF] =	sst s2;
	s6 =	sshll.u32 s1, $0x10;
	s7 =	sshll.u32 s1, $0x7  }
0x6: {  	s3 =	ssub.s32 $0x2, s3;
	s1 =	rddreg [dreg:$0x2];
	s7 =	sor.u32 s7, s6  }
0x7: {  	_ =	strace $0x80000047;
	s8 =	sshrl.u32 s3, $0x1;
	s7 =	sand.u32 $0x180380, s7  }
0x8: {  	s31 =	ssub.s32 s3, s8;
	s3 =	sadd.s32 s4, s6;
	s7 =	sshrl.u32 s7, $0x3  }
0x9: {  	v1 =	vlaneseq.u32;
	s6 =	simm.s32 $0x1;
	s8 =	simm.s32 $0x80;
	s5 =	sadd.s32 s7, s5  }
0xa: {  	v0 =	vimm.f32 $0.0e+00;
	v2 =	vimm.f32 $1.000000000e+00;
	v1 =	vor.u32 $0x10000, v1;
	s7 =	simm.s32 $0x8000;
	s4 =	sadd.s32 $0x101C00, s5;
	s5 =	smax.u32 s31, $0x1  }
.LBB2_1:
0xb: {  	s10 =	simm.s32 $0x40;
	s11 =	simm.s32 $0x0  }
.LBB2_2:
0xc: {  	p0 =	sne.s32 s10, $0x40000;
	[tilespmem:s11+$0x8000] =	vst v0;
	s11 =	smov.u32 s10;
	s10 =	sadd.s32 $0x40, s10  }
.Ltmp0:
0xd: {  	(pc) =	sbr.rel @p0 .LBB2_2-.Ltmp0, $2  }
0xe: {  	_ =	sdelay $0x2  }
0xf: {  	s11 =	sshra.s32 s11, $0x2  }
0x10: {  	[tilespmem:s11+$0x8000] =	vst v0;
	s10 =	simm.s32 $0x0;
	s11 =	simm.s32 $0x0  }
.LBB2_4:
0x11: {  	s12 =	sshll.u32 s11, $0xC  }
0x12: {  	s12 =	sadd.s32 s12, s3  }
0x13: {  	[tilespmem:s10], [sflag:$0x1] =	stream.linear.gather [hbm4b:s12+s10], $0x8000, $0x38;
	[tilespmem:$0x18080] =	vst v63  }
0x14: {  	_ =	swait.ge [sflag:s6], $0x8000  }
0x15: {  	s13 =	simm.s32 $0x0;
	[sflag:s6] =	ssyncset.done $0x0  }
0x16: {  	s14 =	simm.s32 $0x0;
	s12 =	simm.s32 $0x0;
	[sflag:s6] =	ssyncadd.s32 $0xFFFF8000  }
.LBB2_5:
0x17: {  	s15 =	sshll.u32 s13, $0x2;
	s16 =	sand.u32 $0x7, s12  }
0x18: {  	s15 =	sand.u32 $0xFFFF0000, s15;
	s16 =	sshll.u32 s16, $0x9  }
0x19: {  	s15 =	sor.u32 s16, s15  }
0x1a: {  	s15 =	sshrl.u32 s15, $0x2  }
0x1b: {  	s31 =	sor.u32 $0x470, s15  }
0x1c: {  	v3 =	vmov s31;
	_ =	sdelay $0x2  }
0x1d: {  	s15 =	simm.s32 $0x0  }
.LBB2_6:
0x1e: {  	s16 =	sshra.s32 s15, $0x2  }
0x1f: {  	v4 =	vld.idx.msk [tilespmem:v3+s16+$0xFFFFFB90 ss:$0x1], $0xffff;
	_ =	sdelay $0x4  }
0x20: {  	v4 =	vand.u32 $0x7FFFFFFF, v4  }
0x21: {  	vm0 =	veq.s32 v4, $0x0;
	v4 =	vshrl.u32 v4, $0xF  }
0x22: {  	v4 =	vsel vm0, v1, v4;
	_ =	sdelay $0x4  }
0x23: {  	[tilespmem:v4+s7+$0x0] =	vst.idx.add.f32.msk $0xffff, v2  }
0x24: {  	v4 =	vld.idx.msk [tilespmem:v3+s16+$0xFFFFFBA0 ss:$0x1], $0xffff;
	_ =	sdelay $0x4  }
0x25: {  	v4 =	vand.u32 $0x7FFFFFFF, v4  }
0x26: {  	vm13 =	veq.s32 v4, $0x0;
	v4 =	vshrl.u32 v4, $0xF  }
0x27: {  	v4 =	vsel vm13, v1, v4;
	_ =	sdelay $0x4  }
0x28: {  	[tilespmem:v4+s7+$0x0] =	vst.idx.add.f32.msk $0xffff, v2  }
0x29: {  	v4 =	vld.idx.msk [tilespmem:v3+s16+$0xFFFFFBB0 ss:$0x1], $0xffff;
	_ =	sdelay $0x4  }
0x2a: {  	v4 =	vand.u32 $0x7FFFFFFF, v4  }
0x2b: {  	vm14 =	veq.s32 v4, $0x0;
	v4 =	vshrl.u32 v4, $0xF  }
0x2c: {  	v4 =	vsel vm14, v1, v4;
	_ =	sdelay $0x4  }
0x2d: {  	[tilespmem:v4+s7+$0x0] =	vst.idx.add.f32.msk $0xffff, v2  }
0x2e: {  	v4 =	vld.idx.msk [tilespmem:v3+s16+$0xFFFFFBC0 ss:$0x1], $0xffff;
	_ =	sdelay $0x4  }
0x2f: {  	v4 =	vand.u32 $0x7FFFFFFF, v4  }
0x30: {  	vm15 =	veq.s32 v4, $0x0;
	v4 =	vshrl.u32 v4, $0xF  }
0x31: {  	v4 =	vsel vm15, v1, v4;
	_ =	sdelay $0x4  }
0x32: {  	[tilespmem:v4+s7+$0x0] =	vst.idx.add.f32.msk $0xffff, v2  }
0x33: {  	v4 =	vld.idx.msk [tilespmem:v3+s16+$0xFFFFFBD0 ss:$0x1], $0xffff;
	_ =	sdelay $0x4  }
0x34: {  	v4 =	vand.u32 $0x7FFFFFFF, v4  }
0x35: {  	vm4 =	veq.s32 v4, $0x0;
	v4 =	vshrl.u32 v4, $0xF  }
0x36: {  	v4 =	vsel vm4, v1, v4;
	_ =	sdelay $0x4  }
0x37: {  	[tilespmem:v4+s7+$0x0] =	vst.idx.add.f32.msk $0xffff, v2  }
0x38: {  	v4 =	vld.idx.msk [tilespmem:v3+s16+$0xFFFFFBE0 ss:$0x1], $0xffff;
	_ =	sdelay $0x4  }
0x39: {  	v4 =	vand.u32 $0x7FFFFFFF, v4  }
0x3a: {  	vm5 =	veq.s32 v4, $0x0;
	v4 =	vshrl.u32 v4, $0xF  }
0x3b: {  	v4 =	vsel vm5, v1, v4;
	_ =	sdelay $0x4  }
0x3c: {  	[tilespmem:v4+s7+$0x0] =	vst.idx.add.f32.msk $0xffff, v2  }
0x3d: {  	v4 =	vld.idx.msk [tilespmem:v3+s16+$0xFFFFFBF0 ss:$0x1], $0xffff;
	_ =	sdelay $0x4  }
0x3e: {  	v4 =	vand.u32 $0x7FFFFFFF, v4  }
0x3f: {  	vm6 =	veq.s32 v4, $0x0;
	v4 =	vshrl.u32 v4, $0xF  }
0x40: {  	v4 =	vsel vm6, v1, v4;
	_ =	sdelay $0x4  }
0x41: {  	[tilespmem:v4+s7+$0x0] =	vst.idx.add.f32.msk $0xffff, v2  }
0x42: {  	v4 =	vld.idx.msk [tilespmem:v3+s16+$0xFFFFFC00 ss:$0x1], $0xffff;
	_ =	sdelay $0x4  }
0x43: {  	v4 =	vand.u32 $0x7FFFFFFF, v4  }
0x44: {  	vm7 =	veq.s32 v4, $0x0;
	v4 =	vshrl.u32 v4, $0xF  }
0x45: {  	v4 =	vsel vm7, v1, v4;
	_ =	sdelay $0x4  }
0x46: {  	[tilespmem:v4+s7+$0x0] =	vst.idx.add.f32.msk $0xffff, v2  }
0x47: {  	v4 =	vld.idx.msk [tilespmem:v3+s16+$0xFFFFFF90 ss:$0x1], $0xffff;
	_ =	sdelay $0x4  }
0x48: {  	v4 =	vand.u32 $0x7FFFFFFF, v4  }
0x49: {  	vm8 =	veq.s32 v4, $0x0;
	v4 =	vshrl.u32 v4, $0xF  }
0x4a: {  	v4 =	vsel vm8, v1, v4;
	_ =	sdelay $0x4  }
0x4b: {  	[tilespmem:v4+s7+$0x0] =	vst.idx.add.f32.msk $0xffff, v2  }
0x4c: {  	v4 =	vld.idx.msk [tilespmem:v3+s16+$0xFFFFFFA0 ss:$0x1], $0xffff;
	_ =	sdelay $0x4  }
0x4d: {  	v4 =	vand.u32 $0x7FFFFFFF, v4  }
0x4e: {  	vm9 =	veq.s32 v4, $0x0;
	v4 =	vshrl.u32 v4, $0xF  }
0x4f: {  	v4 =	vsel vm9, v1, v4;
	_ =	sdelay $0x4  }
0x50: {  	[tilespmem:v4+s7+$0x0] =	vst.idx.add.f32.msk $0xffff, v2  }
0x51: {  	v4 =	vld.idx.msk [tilespmem:v3+s16+$0xFFFFFFB0 ss:$0x1], $0xffff;
	_ =	sdelay $0x4  }
0x52: {  	v4 =	vand.u32 $0x7FFFFFFF, v4  }
0x53: {  	vm10 =	veq.s32 v4, $0x0;
	v4 =	vshrl.u32 v4, $0xF  }
0x54: {  	v4 =	vsel vm10, v1, v4;
	_ =	sdelay $0x4  }
0x55: {  	[tilespmem:v4+s7+$0x0] =	vst.idx.add.f32.msk $0xffff, v2  }
0x56: {  	v4 =	vld.idx.msk [tilespmem:v3+s16+$0xFFFFFFC0 ss:$0x1], $0xffff;
	_ =	sdelay $0x4  }
0x57: {  	v4 =	vand.u32 $0x7FFFFFFF, v4  }
0x58: {  	vm11 =	veq.s32 v4, $0x0;
	v4 =	vshrl.u32 v4, $0xF  }
0x59: {  	v4 =	vsel vm11, v1, v4;
	_ =	sdelay $0x4  }
0x5a: {  	[tilespmem:v4+s7+$0x0] =	vst.idx.add.f32.msk $0xffff, v2  }
0x5b: {  	v4 =	vld.idx.msk [tilespmem:v3+s16+$0xFFFFFFD0 ss:$0x1], $0xffff;
	_ =	sdelay $0x4  }
0x5c: {  	v4 =	vand.u32 $0x7FFFFFFF, v4  }
0x5d: {  	vm12 =	veq.s32 v4, $0x0;
	v4 =	vshrl.u32 v4, $0xF  }
0x5e: {  	v4 =	vsel vm12, v1, v4;
	_ =	sdelay $0x4  }
0x5f: {  	[tilespmem:v4+s7+$0x0] =	vst.idx.add.f32.msk $0xffff, v2  }
0x60: {  	v4 =	vld.idx.msk [tilespmem:v3+s16+$0xFFFFFFE0 ss:$0x1], $0xffff;
	_ =	sdelay $0x4  }
0x61: {  	v4 =	vand.u32 $0x7FFFFFFF, v4  }
0x62: {  	vm13 =	veq.s32 v4, $0x0;
	v4 =	vshrl.u32 v4, $0xF  }
0x63: {  	v4 =	vsel vm13, v1, v4;
	_ =	sdelay $0x4  }
0x64: {  	[tilespmem:v4+s7+$0x0] =	vst.idx.add.f32.msk $0xffff, v2  }
0x65: {  	v4 =	vld.idx.msk [tilespmem:v3+s16+$0xFFFFFFF0 ss:$0x1], $0xffff;
	_ =	sdelay $0x4  }
0x66: {  	v4 =	vand.u32 $0x7FFFFFFF, v4  }
0x67: {  	vm14 =	veq.s32 v4, $0x0;
	v4 =	vshrl.u32 v4, $0xF  }
0x68: {  	v4 =	vsel vm14, v1, v4;
	_ =	sdelay $0x4  }
0x69: {  	[tilespmem:v4+s7+$0x0] =	vst.idx.add.f32.msk $0xffff, v2  }
0x6a: {  	v4 =	vld.idx.msk [tilespmem:v3+s16+$0x0 ss:$0x1], $0xffff;
	_ =	sdelay $0x4  }
0x6b: {  	v4 =	vand.u32 $0x7FFFFFFF, v4  }
0x6c: {  	vm15 =	veq.s32 v4, $0x0;
	v4 =	vshrl.u32 v4, $0xF  }
0x6d: {  	p0 =	sne.s32 s15, $0xE000;
	v4 =	vsel vm15, v1, v4  }
.Ltmp1:
0x6e: {  	_ = 	snop;
	(pc) =	sbr.rel @p0 .LBB2_6-.Ltmp1, $2  }
0x6f: {  	_ =	sdelay $0x2  }
0x70: {  	s15 =	sadd.s32 $0x2000, s15;
	[tilespmem:v4+s7+$0x0] =	vst.idx.add.f32.msk $0xffff, v2  }
0x71: {  	s14 =	sadd.s32 $0x1, s14  }
0x72: {  	p0 =	sne.s32 s14, $0x10  }
.Ltmp2:
0x73: {  	_ = 	snop;
	(pc) =	sbr.rel @p0 .LBB2_5-.Ltmp2, $2  }
0x74: {  	_ =	sdelay $0x2  }
0x75: {  	s13 =	sadd.s32 $0x800, s13;
	s12 =	sadd.s32 $0x1, s12  }
0x76: {  	s11 =	sadd.s32 $0x1, s11  }
0x77: {  	p0 =	sne.s32 s11, $0x10  }
.Ltmp3:
0x78: {  	_ = 	snop;
	(pc) =	sbr.rel @p0 .LBB2_4-.Ltmp3, $1  }
0x79: {  	_ =	sdelay $0x3  }
0x7a: {  	s2 =	sadd.s32 $0x1, s2  }
0x7b: {  	p0 =	sne.s32 s2, s5  }
.Ltmp4:
0x7c: {  	_ = 	snop;
	(pc) =	sbr.rel @p0 .LBB2_1-.Ltmp4, $4  }
0x7d: {  	[hbm4b:s4+s8] =	stream.strided.scatter [tilespmem:s7], [sflag:$0x1], $0x10000, s9, s8, $0x38;
	[tilespmem:$0x18080] =	vst v63  }
0x7e: {  	_ =	swait.ge [sflag:s6], $0x10000  }
0x7f: {  	[sflag:s6] =	ssyncset.done $0x0  }
0x80: {  	[sflag:s6] =	ssyncadd.s32 $0xFFFF0000  }
0x81: {  	_ =	sfence.sel $0x180000  }
0x82: {  	[bflag:$0x0] =	sbarrier.arrive $0xFFFF  }
0x83: {  	p0 =	sne.s32 s0, $0x0;
	_ =	strace $0x90000047  }
0x84: {  	s0 =	sadd.s32 @!p0 $0x100000, s1;
	[bflag:$0x2] =	sbarrier.arrive $0xFFFF  }
0x85: {  	[sflag:s0] =	ssyncadd.tile.s32 @!p0 $0x1;
	_ =	shalt  }
.Lfunc_end2:
_tile_overlayer_lowered:
.L_overlay_start_2:
0x86: {  	(tag) =	ssettag $0x2  }
0x87: {  	s0 =	rddreg [dreg:$0x0];
	s2 =	stileid.u32  }
0x88: {  	s1 =	rddreg [dreg:$0x1];
	p0 =	sne.s32 s2, $0x0  }
0x89: {  	s3 =	rddreg [dreg:$0x2];
	[bflag:$0x3] =	sbarrier.arrive $0xFFFF;
	s2 =	simm.s32 @!p0 $0x1C01  }
0x8a: {  	[timem:s3], [sflag:s2] =	dma.local @!p0 [hbm:s0], s1  }
0x8b: {  	s0 =	simm.s32 @!p0 $0x1  }
0x8c: {  	_ =	swait.ge @!p0 [sflag:s0], s1  }
0x8d: {  	s1 =	ssub.s32 @!p0 $0x0, s1;
	[sflag:s0] =	ssyncset.done @!p0 $0x0  }
0x8e: {  	[sflag:s0] =	ssyncadd.s32 @!p0 s1  }
0x8f: {  	[bflag:$0x3] =	sbarrier.arrive $0xFFFF  }
0x90: {  	_ =	shalt  }

</sc_bundles>
